<compile_context>
chip_gen: v7x
topology: tpu7x:2x2x1
jax: 0.10.2.dev20260603
libtpu: 0.0.44.dev20260713+nightly
codegen_flags: <defaults>
</compile_context>

<pallas_src>
import functools

import jax
import jax.numpy as jnp
from jax import lax
from jax.experimental import pallas as pl
from jax.experimental.pallas import tpu as pltpu
from jax.experimental.pallas import tpu_sc as plsc

H = 128


def _init_body(x_ref, nw_ref, nb_ref, w1s_ref, w1d_ref, h_ref, hs_ref, hd_ref):
    h = jnp.dot(x_ref[...], nw_ref[...], preferred_element_type=jnp.float32)
    h = h + nb_ref[...]
    h_ref[...] = h
    hs_ref[...] = jnp.dot(h, w1s_ref[...], preferred_element_type=jnp.float32)
    hd_ref[...] = jnp.dot(h, w1d_ref[...], preferred_element_type=jnp.float32)


def _init_call(x, node_w, node_b, w1s, w1d, blk):
    n, d = x.shape
    grid = (n // blk,)
    full = lambda shape: pl.BlockSpec(shape, lambda i: (0, 0))
    rows = lambda w: pl.BlockSpec((blk, w), lambda i: (i, 0))
    return pl.pallas_call(
        _init_body,
        grid=grid,
        in_specs=[rows(d), full((d, H)), full((1, H)), full((H, H)), full((H, H))],
        out_specs=[rows(H), rows(H), rows(H)],
        out_shape=[jax.ShapeDtypeStruct((n, H), jnp.float32)] * 3,
    )(x, node_w, node_b, w1s, w1d)


def _ew_body(ea_ref, ewt_ref, w1e_ref, eb_ref, b1_ref, o0_ref, o1_ref, o2_ref):
    we = jnp.dot(ewt_ref[...], w1e_ref[...], preferred_element_type=jnp.float32)
    beta = jnp.dot(eb_ref[...], w1e_ref[...], preferred_element_type=jnp.float32)
    beta = beta + b1_ref[...]
    ewc = jnp.dot(ea_ref[...], we, preferred_element_type=jnp.float32) + beta
    o0_ref[...] = ewc[:, 0:H]
    o1_ref[...] = ewc[:, H:2 * H]
    o2_ref[...] = ewc[:, 2 * H:3 * H]


def _ew_call(edge_attr, edge_w, w1e_cat, edge_b, b1_cat, blk):
    e, d = edge_attr.shape
    grid = (e // blk,)
    full = lambda shape: pl.BlockSpec(shape, lambda i: (0, 0))
    rows = lambda w: pl.BlockSpec((blk, w), lambda i: (i, 0))
    return pl.pallas_call(
        _ew_body,
        grid=grid,
        in_specs=[rows(d), full((d, H)), full((H, 3 * H)), full((1, H)),
                  full((1, 3 * H))],
        out_specs=[rows(H)] * 3,
        out_shape=[jax.ShapeDtypeStruct((e, H), jnp.float32)] * 3,
    )(edge_attr, edge_w, w1e_cat, edge_b, b1_cat)


def _make_edge_sc(n, e):
    info = plsc.get_sparse_core_info()
    nc, ns = info.num_cores, info.num_subcores
    nw = nc * ns
    epw = e // nw
    ch = 200
    nch = epw // ch
    assert nch * ch == epw and epw * nw == e

    mesh = plsc.VectorSubcoreMesh(core_axis_name="c", subcore_axis_name="s")

    @functools.partial(
        pl.kernel, mesh=mesh,
        out_type=jax.ShapeDtypeStruct((e, H), jnp.float32),
        scratch_types=[
            pltpu.VMEM((ch,), jnp.int32),
            pltpu.VMEM((ch,), jnp.int32),
            pltpu.VMEM((ch, H), jnp.float32),
            pltpu.VMEM((ch, H), jnp.float32),
            pltpu.VMEM((ch, H), jnp.float32),
            pltpu.SemaphoreType.DMA,
            pltpu.SemaphoreType.DMA,
            pltpu.SemaphoreType.DMA,
        ])
    def edge_kernel(hs_hbm, hd_hbm, ew_hbm, src_hbm, dst_hbm, t_out,
                    idx_s, idx_d, bufa, bufb, bufc, sem1, sem2, sem3):
        c = lax.axis_index("c")
        s = lax.axis_index("s")
        base = (c * ns + s) * epw

        def chunk(i, _):
            eb = base + i * ch
            pltpu.sync_copy(src_hbm.at[pl.ds(eb, ch)], idx_s)
            pltpu.sync_copy(dst_hbm.at[pl.ds(eb, ch)], idx_d)
            cp_a = pltpu.async_copy(hs_hbm.at[idx_s], bufa, sem1)
            cp_b = pltpu.async_copy(hd_hbm.at[idx_d], bufb, sem2)
            cp_c = pltpu.async_copy(ew_hbm.at[pl.ds(eb, ch)], bufc, sem3)
            cp_a.wait()
            cp_b.wait()
            cp_c.wait()

            def row(r, _):
                for g in range(H // 16):
                    sl = pl.ds(g * 16, 16)
                    v = bufa[r, sl] + bufb[r, sl] + bufc[r, sl]
                    bufa[r, sl] = jnp.maximum(v, 0.0)
                return 0
            lax.fori_loop(0, ch, row, 0)
            pltpu.sync_copy(bufa, t_out.at[pl.ds(eb, ch)])
            return 0
        lax.fori_loop(0, nch, chunk, 0)

    return edge_kernel


def _edge_sc_call(hs, hd, ew, src, dst):
    return _make_edge_sc(hs.shape[0], src.shape[0])(hs, hd, ew, src, dst)


def _segsum_body(dst_ref, t_ref, acc_ref, cnt_ref, *, bn, with_cnt):
    i = pl.program_id(0)
    j = pl.program_id(1)
    node_id = jax.lax.broadcasted_iota(jnp.int32, (bn, 1), 0) + i * bn
    onehot = (node_id == dst_ref[...]).astype(jnp.bfloat16)
    part = jnp.dot(onehot, t_ref[...], preferred_element_type=jnp.float32)

    @pl.when(j == 0)
    def _():
        acc_ref[...] = jnp.zeros_like(acc_ref)
        if with_cnt:
            cnt_ref[...] = jnp.zeros_like(cnt_ref)

    acc_ref[...] += part
    if with_cnt:
        csum = jnp.sum(onehot.astype(jnp.float32), axis=1, keepdims=True)
        cnt_ref[...] += jnp.broadcast_to(csum, cnt_ref.shape)


def _segsum_call(dst_row, t_bf, n, with_cnt, bn=2000, be=1280):
    e = t_bf.shape[0]
    grid = (n // bn, e // be)
    out_shape = [jax.ShapeDtypeStruct((n, H), jnp.float32),
                 jax.ShapeDtypeStruct((n, 16), jnp.float32)]
    return pl.pallas_call(
        functools.partial(_segsum_body, bn=bn, with_cnt=with_cnt),
        grid=grid,
        in_specs=[pl.BlockSpec((1, be), lambda i, j: (0, j)),
                  pl.BlockSpec((be, H), lambda i, j: (j, 0))],
        out_specs=[pl.BlockSpec((bn, H), lambda i, j: (i, 0)),
                   pl.BlockSpec((bn, 16), lambda i, j: (i, 0))],
        out_shape=out_shape,
    )(dst_row, t_bf)


def _node_body(acc_ref, cnt_ref, h_ref, w2_ref, b2_ref, wi_ref, bi_ref,
               wh_ref, bh_ref, w1s_ref, w1d_ref, h_out, hs_out, hd_out,
               *, last):
    cnt = cnt_ref[...][:, 0:1]
    inv = 1.0 / jnp.maximum(cnt, 1.0)
    ind = jnp.minimum(cnt, 1.0)
    sm = acc_ref[...] * inv
    agg = jnp.dot(sm, w2_ref[...], preferred_element_type=jnp.float32)
    agg = agg + b2_ref[...] * ind
    h = h_ref[...]
    gi = jnp.dot(agg, wi_ref[...], preferred_element_type=jnp.float32) + bi_ref[...]
    gh = jnp.dot(h, wh_ref[...], preferred_element_type=jnp.float32) + bh_ref[...]
    r = jax.nn.sigmoid(gi[:, 0:H] + gh[:, 0:H])
    z = jax.nn.sigmoid(gi[:, H:2 * H] + gh[:, H:2 * H])
    nn = jnp.tanh(gi[:, 2 * H:3 * H] + r * gh[:, 2 * H:3 * H])
    hn = jnp.maximum((1.0 - z) * nn + z * h, 0.0)
    if last:
        s = jnp.sum(hn, axis=0, keepdims=True)

        @pl.when(pl.program_id(0) == 0)
        def _():
            h_out[...] = s

        @pl.when(pl.program_id(0) > 0)
        def _():
            h_out[...] = h_out[...] + s
    else:
        h_out[...] = hn
        hs_out[...] = jnp.dot(hn, w1s_ref[...], preferred_element_type=jnp.float32)
        hd_out[...] = jnp.dot(hn, w1d_ref[...], preferred_element_type=jnp.float32)


def _node_call(acc, cnt16, h, lp2, w1s_next, w1d_next, blk, last):
    n = h.shape[0]
    grid = (n // blk,)
    w2, b2, wi, bi, wh, bh = lp2
    full = lambda shape: pl.BlockSpec(shape, lambda i: (0,) * len(shape))
    rows = lambda w: pl.BlockSpec((blk, w), lambda i: (i, 0))
    in_specs = [
        rows(H),
        pl.BlockSpec((blk, 16), lambda i: (i, 0)),
        rows(H), full((H, H)), full((1, H)), full((H, 3 * H)),
        full((1, 3 * H)), full((H, 3 * H)), full((1, 3 * H)),
        full((H, H)), full((H, H)),
    ]
    if last:
        out_specs = [pl.BlockSpec((1, H), lambda i: (0, 0))] * 3
        out_shape = [jax.ShapeDtypeStruct((1, H), jnp.float32)] * 3
    else:
        out_specs = [rows(H)] * 3
        out_shape = [jax.ShapeDtypeStruct((n, H), jnp.float32)] * 3
    return pl.pallas_call(
        functools.partial(_node_body, last=last),
        grid=grid,
        in_specs=in_specs,
        out_specs=out_specs,
        out_shape=out_shape,
    )(acc, cnt16, h, w2, b2, wi, bi, wh, bh, w1s_next, w1d_next)


def _readout_body(hsum_ref, desc_ref, f1w_ref, f1b_ref, f2w_ref, f2b_ref,
                  ow_ref, ob_ref, o_ref, *, n_nodes):
    hg = jnp.sum(hsum_ref[...], axis=0, keepdims=True) * (1.0 / n_nodes)
    xc = jnp.concatenate([hg, desc_ref[...]], axis=1)
    x1 = jnp.dot(xc, f1w_ref[...], preferred_element_type=jnp.float32)
    x1 = jnp.maximum(x1 + f1b_ref[...], 0.0)
    x2 = jnp.dot(x1, f2w_ref[...], preferred_element_type=jnp.float32)
    x2 = jnp.maximum(x2 + f2b_ref[...], 0.0)
    o_ref[...] = jnp.dot(x2, ow_ref[...], preferred_element_type=jnp.float32) + ob_ref[...]


def _readout_call(hsum, desc, p, n_nodes):
    nb = hsum.shape[0]
    ex = desc.shape[1]
    full = lambda shape: pl.BlockSpec(shape, lambda: (0,) * len(shape))
    return pl.pallas_call(
        functools.partial(_readout_body, n_nodes=float(n_nodes)),
        in_specs=[full((nb, H)), full((1, ex)), full((H + ex, H)),
                  full((1, H)), full((H, H // 2)), full((1, H // 2)),
                  full((H // 2, 1)), full((1, 1))],
        out_specs=full((1, 1)),
        out_shape=jax.ShapeDtypeStruct((1, 1), jnp.float32),
    )(hsum, desc, p['fc1_w'], p['fc1_b'].reshape(1, -1), p['fc2_w'],
      p['fc2_b'].reshape(1, -1), p['out_w'], p['out_b'].reshape(1, -1))


def kernel(x, edge_index, edge_attr, desc, params):
    n = x.shape[0]
    src = edge_index[0]
    dst = edge_index[1]
    layers = params['layers']
    blk_n = 2000
    blk_e = 8000

    w1s = [lp['w1'][0:H] for lp in layers]
    w1d = [lp['w1'][H:2 * H] for lp in layers]
    w1e_cat = jnp.concatenate([lp['w1'][2 * H:3 * H] for lp in layers], axis=1)
    b1_cat = jnp.concatenate([lp['b1'] for lp in layers]).reshape(1, -1)

    h, hs, hd = _init_call(x, params['node_w'],
                           params['node_b'].reshape(1, H),
                           w1s[0], w1d[0], blk_n)
    ew = _ew_call(edge_attr, params['edge_w'], w1e_cat,
                  params['edge_b'].reshape(1, H), b1_cat, blk_e)

    cnt16 = None
    dst_row = dst.reshape(1, -1)
    for li, lp in enumerate(layers):
        t = _edge_sc_call(hs, hd, ew[li], src, dst)
        acc, c16 = _segsum_call(dst_row, t.astype(jnp.bfloat16), n,
                                cnt16 is None)
        if cnt16 is None:
            cnt16 = c16
        last = li == len(layers) - 1
        lp2 = (lp['w2'], lp['b2'].reshape(1, H), lp['wi'],
               lp['bi'].reshape(1, 3 * H), lp['wh'], lp['bh'].reshape(1, 3 * H))
        nxt_s = w1s[li + 1] if not last else w1s[0]
        nxt_d = w1d[li + 1] if not last else w1d[0]
        h, hs, hd = _node_call(acc, cnt16, h, lp2, nxt_s, nxt_d, blk_n, last)

    return _readout_call(h, desc, params, n)

# --- scband reference (transcript-rebuilt; emitter-appended) ---
"""Pipeline reference for scband-mpnnreg-add-70592082477430 (READ-ONLY COPY).

The authoritative reference and input builder live on the scoring server;
editing this copy changes nothing except your own understanding.
"""

import jax, jax.numpy as jnp
import numpy as np

N_NODES = 10000
N_EDGES = 320000
IN_DIM = 128
EDGE_DIM = 10
HIDDEN = 128
EXTRA = 64
N_CLASSES = 1
NUM_LAYERS = 3


def _w(k, shape):
    return jax.random.normal(k, shape, dtype=jnp.float32) * 0.05


def setup_inputs(seed: int = 0) -> dict:
    key = jax.random.key(seed)
    ks = jax.random.split(key, 64)
    x = jax.random.normal(ks[0], (N_NODES, IN_DIM), dtype=jnp.float32)
    edge_index = jax.random.randint(ks[1], (2, N_EDGES), 0, N_NODES, dtype=jnp.int32)
    edge_attr = jax.random.normal(ks[2], (N_EDGES, EDGE_DIM), dtype=jnp.float32)
    desc = jax.random.normal(ks[3], (1, EXTRA), dtype=jnp.float32)
    layers = []
    ki = 8
    for _ in range(NUM_LAYERS):
        lp = {
            'w1': _w(ks[ki + 0], (3 * HIDDEN, HIDDEN)),
            'b1': jnp.zeros((HIDDEN,), jnp.float32),
            'w2': _w(ks[ki + 1], (HIDDEN, HIDDEN)),
            'b2': jnp.zeros((HIDDEN,), jnp.float32),
            'wi': _w(ks[ki + 2], (HIDDEN, 3 * HIDDEN)),
            'bi': jnp.zeros((3 * HIDDEN,), jnp.float32),
            'wh': _w(ks[ki + 3], (HIDDEN, 3 * HIDDEN)),
            'bh': jnp.zeros((3 * HIDDEN,), jnp.float32),
        }
        layers.append(lp)
        ki += 4
    params = {
        'node_w': _w(ks[4], (IN_DIM, HIDDEN)),
        'node_b': jnp.zeros((HIDDEN,), jnp.float32),
        'edge_w': _w(ks[5], (EDGE_DIM, HIDDEN)),
        'edge_b': jnp.zeros((HIDDEN,), jnp.float32),
        'layers': layers,
        'fc1_w': _w(ks[30], (HIDDEN + EXTRA, HIDDEN)),
        'fc1_b': jnp.zeros((HIDDEN,), jnp.float32),
        'fc2_w': _w(ks[31], (HIDDEN, HIDDEN // 2)),
        'fc2_b': jnp.zeros((HIDDEN // 2,), jnp.float32),
        'out_w': _w(ks[32], (HIDDEN // 2, N_CLASSES)),
        'out_b': jnp.zeros((N_CLASSES,), jnp.float32),
    }
    return {'x': x, 'edge_index': edge_index, 'edge_attr': edge_attr, 'desc': desc, 'params': params}


def _gru_cell(lp, inp, h):
    gi = inp @ lp['wi'] + lp['bi']
    gh = h @ lp['wh'] + lp['bh']
    i_r, i_z, i_n = jnp.split(gi, 3, axis=1)
    h_r, h_z, h_n = jnp.split(gh, 3, axis=1)
    r = jax.nn.sigmoid(i_r + h_r)
    z = jax.nn.sigmoid(i_z + h_z)
    n = jnp.tanh(i_n + r * h_n)
    return (1.0 - z) * n + z * h


def _forward(x, edge_attr, desc, params, edge_index):
    src = edge_index[0]
    dst = edge_index[1]
    n = x.shape[0]
    h = x @ params['node_w'] + params['node_b']
    e = edge_attr @ params['edge_w'] + params['edge_b']
    for lp in params['layers']:
        msg_in = jnp.concatenate([h[src], h[dst], e], axis=1)
        m = jax.nn.relu(msg_in @ lp['w1'] + lp['b1'])
        m = m @ lp['w2'] + lp['b2']
        s = jax.ops.segment_sum(m, dst, num_segments=n)
        cnt = jax.ops.segment_sum(jnp.ones((m.shape[0], 1), m.dtype), dst, num_segments=n)
        agg = s / jnp.maximum(cnt, 1.0)
        h = _gru_cell(lp, agg, h)
        h = jax.nn.relu(h)
        # dropout is identity in eval mode
    hg = jnp.mean(h, axis=0, keepdims=True)
    xc = jnp.concatenate([hg, desc], axis=1)
    x1 = jax.nn.relu(xc @ params['fc1_w'] + params['fc1_b'])
    x2 = jax.nn.relu(x1 @ params['fc2_w'] + params['fc2_b'])
    return x2 @ params['out_w'] + params['out_b']


def reference(x, edge_index, edge_attr, desc, params):
    return _forward(x, edge_attr, desc, params, edge_index)

if __name__ == "__main__":
    import jax
    _d = setup_inputs()
    print(jax.jit(kernel)(*tuple(_d.values())))

</pallas_src>

<mosaic_0001>
#map = affine_map<(d0, d1) -> (0, 0)>
#map1 = affine_map<(d0, d1) -> (0)>
module attributes {stable_mosaic.version = 14 : i64} {
  func.func @edge_kernel(%arg0: i32, %arg1: i32, %arg2: memref<10000x128xf32, #tpu.memory_space<hbm>>, %arg3: memref<10000x128xf32, #tpu.memory_space<hbm>>, %arg4: memref<320000x128xf32, #tpu.memory_space<hbm>>, %arg5: memref<320000xi32, #tpu.memory_space<hbm>>, %arg6: memref<320000xi32, #tpu.memory_space<hbm>>, %arg7: memref<320000x128xf32, #tpu.memory_space<hbm>>, %arg8: memref<200xi32, #tpu.memory_space<vmem>>, %arg9: memref<200xi32, #tpu.memory_space<vmem>>, %arg10: memref<200x128xf32, #tpu.memory_space<vmem>>, %arg11: memref<200x128xf32, #tpu.memory_space<vmem>>, %arg12: memref<200x128xf32, #tpu.memory_space<vmem>>, %arg13: memref<!tpu.dma_semaphore, #tpu.memory_space<semaphore_mem>>, %arg14: memref<!tpu.dma_semaphore, #tpu.memory_space<semaphore_mem>>, %arg15: memref<!tpu.dma_semaphore, #tpu.memory_space<semaphore_mem>>) attributes {dimension_semantics = [#tpu.dimension_semantics<core_parallel>, #tpu.dimension_semantics<subcore_parallel>], iteration_bounds = array<i64: 2, 16>, scalar_prefetch = 0 : i64, scratch_operands = 8 : i64, tpu.core_type = #tpu.core_type<sc_vector_subcore>, window_params = [{transform_indices = #map}, {transform_indices = #map}, {transform_indices = #map}, {transform_indices = #map1}, {transform_indices = #map1}, {transform_indices = #map}]} {
    %mul3A = arith.constant 16 : i32
    %mul3A_0 = arith.muli %arg0, %mul3A : i32
    %add3A = arith.addi %mul3A_0, %arg1 : i32
    %mul3A_1 = arith.constant 10000 : i32
    %mul3A_2 = arith.muli %add3A, %mul3A_1 : i32
    %scan3A = arith.constant 0 : i32
    %scan3A_3 = arith.constant 0 : i32
    %scan3A_4 = arith.constant 50 : i32
    %scan3A_5 = arith.addi %scan3A_3, %scan3A_4 : i32
    %scan3A_6 = arith.constant 1 : i32
    %scan3A_7 = scf.for %scan3A_9 = %scan3A_3 to %scan3A_5 step %scan3A_6 iter_args(%scan3A_10 = %scan3A) -> (i32)  : i32 {
      %mul3A_11 = arith.constant 200 : i32
      %mul3A_12 = arith.muli %scan3A_9, %mul3A_11 : i32
      %add3A_13 = arith.addi %mul3A_2, %mul3A_12 : i32
      "tpu.region"() ({
        %run_scoped3A = tpu.sem_alloc : memref<!tpu.dma_semaphore, #tpu.memory_space<semaphore_mem>>
        %dma_start3A_40 = tpu.memref_slice %arg5[%add3A_13] : memref<320000xi32, #tpu.memory_space<hbm>> -> memref<200xi32, #tpu.memory_space<hbm>>
        %dma_start3A_41 = tpu.memref_slice %arg5[%add3A_13] : memref<320000xi32, #tpu.memory_space<hbm>> -> memref<200xi32, #tpu.memory_space<hbm>>
        tpu.enqueue_dma source(%dma_start3A_41 : memref<200xi32, #tpu.memory_space<hbm>>) target(%arg8 : memref<200xi32, #tpu.memory_space<vmem>>) target_semaphore(%run_scoped3A : memref<!tpu.dma_semaphore, #tpu.memory_space<semaphore_mem>>)
        %dma_wait3A_42 = tpu.memref_slice %arg5[%add3A_13] : memref<320000xi32, #tpu.memory_space<hbm>> -> memref<200xi32, #tpu.memory_space<hbm>>
        %dma_wait3A_43 = tpu.memref_slice %arg5[%add3A_13] : memref<320000xi32, #tpu.memory_space<hbm>> -> memref<200xi32, #tpu.memory_space<hbm>>
        tpu.wait_dma2 semaphore(%run_scoped3A : memref<!tpu.dma_semaphore, #tpu.memory_space<semaphore_mem>>) src(%dma_wait3A_43 : memref<200xi32, #tpu.memory_space<hbm>>) dst(%arg8 : memref<200xi32, #tpu.memory_space<vmem>>)
        tpu.yield
      }) : () -> ()
      "tpu.region"() ({
        %run_scoped3A = tpu.sem_alloc : memref<!tpu.dma_semaphore, #tpu.memory_space<semaphore_mem>>
        %dma_start3A_40 = tpu.memref_slice %arg6[%add3A_13] : memref<320000xi32, #tpu.memory_space<hbm>> -> memref<200xi32, #tpu.memory_space<hbm>>
        %dma_start3A_41 = tpu.memref_slice %arg6[%add3A_13] : memref<320000xi32, #tpu.memory_space<hbm>> -> memref<200xi32, #tpu.memory_space<hbm>>
        tpu.enqueue_dma source(%dma_start3A_41 : memref<200xi32, #tpu.memory_space<hbm>>) target(%arg9 : memref<200xi32, #tpu.memory_space<vmem>>) target_semaphore(%run_scoped3A : memref<!tpu.dma_semaphore, #tpu.memory_space<semaphore_mem>>)
        %dma_wait3A_42 = tpu.memref_slice %arg6[%add3A_13] : memref<320000xi32, #tpu.memory_space<hbm>> -> memref<200xi32, #tpu.memory_space<hbm>>
        %dma_wait3A_43 = tpu.memref_slice %arg6[%add3A_13] : memref<320000xi32, #tpu.memory_space<hbm>> -> memref<200xi32, #tpu.memory_space<hbm>>
        tpu.wait_dma2 semaphore(%run_scoped3A : memref<!tpu.dma_semaphore, #tpu.memory_space<semaphore_mem>>) src(%dma_wait3A_43 : memref<200xi32, #tpu.memory_space<hbm>>) dst(%arg9 : memref<200xi32, #tpu.memory_space<vmem>>)
        tpu.yield
      }) : () -> ()
      %dma_start3A = arith.constant 0 : i32
      %dma_start3A_14 = arith.constant 0 : i32
      %dma_start3A_15 = tpu.memref_slice %arg2[%dma_start3A, %dma_start3A_14] : memref<10000x128xf32, #tpu.memory_space<hbm>> -> memref<10000x128xf32, #tpu.memory_space<hbm>>
      tpu.enqueue_indirect_dma source(%dma_start3A_15 : memref<10000x128xf32, #tpu.memory_space<hbm>>) target(%arg10 : memref<200x128xf32, #tpu.memory_space<vmem>>) offsets(%arg8 : memref<200xi32, #tpu.memory_space<vmem>>) semaphore(%arg13 : memref<!tpu.dma_semaphore, #tpu.memory_space<semaphore_mem>>)
      %dma_start3A_16 = arith.constant 0 : i32
      %dma_start3A_17 = arith.constant 0 : i32
      %dma_start3A_18 = tpu.memref_slice %arg3[%dma_start3A_16, %dma_start3A_17] : memref<10000x128xf32, #tpu.memory_space<hbm>> -> memref<10000x128xf32, #tpu.memory_space<hbm>>
      tpu.enqueue_indirect_dma source(%dma_start3A_18 : memref<10000x128xf32, #tpu.memory_space<hbm>>) target(%arg11 : memref<200x128xf32, #tpu.memory_space<vmem>>) offsets(%arg9 : memref<200xi32, #tpu.memory_space<vmem>>) semaphore(%arg14 : memref<!tpu.dma_semaphore, #tpu.memory_space<semaphore_mem>>)
      %dma_start3A_19 = arith.constant 0 : i32
      %dma_start3A_20 = tpu.memref_slice %arg4[%add3A_13, %dma_start3A_19] : memref<320000x128xf32, #tpu.memory_space<hbm>> -> memref<200x128xf32, #tpu.memory_space<hbm>>
      %dma_start3A_21 = arith.constant 0 : i32
      %dma_start3A_22 = tpu.memref_slice %arg4[%add3A_13, %dma_start3A_21] : memref<320000x128xf32, #tpu.memory_space<hbm>> -> memref<200x128xf32, #tpu.memory_space<hbm>>
      tpu.enqueue_dma source(%dma_start3A_22 : memref<200x128xf32, #tpu.memory_space<hbm>>) target(%arg12 : memref<200x128xf32, #tpu.memory_space<vmem>>) target_semaphore(%arg15 : memref<!tpu.dma_semaphore, #tpu.memory_space<semaphore_mem>>)
      %dma_wait3A = arith.constant 0 : i32
      %dma_wait3A_23 = arith.constant 0 : i32
      %dma_wait3A_24 = tpu.memref_slice %arg2[%dma_wait3A, %dma_wait3A_23] : memref<10000x128xf32, #tpu.memory_space<hbm>> -> memref<10000x128xf32, #tpu.memory_space<hbm>>
      tpu.wait_indirect_dma semaphore(%arg13 : memref<!tpu.dma_semaphore, #tpu.memory_space<semaphore_mem>>) src(%dma_wait3A_24 : memref<10000x128xf32, #tpu.memory_space<hbm>>) dst(%arg10 : memref<200x128xf32, #tpu.memory_space<vmem>>)
      %dma_wait3A_25 = arith.constant 0 : i32
      %dma_wait3A_26 = arith.constant 0 : i32
      %dma_wait3A_27 = tpu.memref_slice %arg3[%dma_wait3A_25, %dma_wait3A_26] : memref<10000x128xf32, #tpu.memory_space<hbm>> -> memref<10000x128xf32, #tpu.memory_space<hbm>>
      tpu.wait_indirect_dma semaphore(%arg14 : memref<!tpu.dma_semaphore, #tpu.memory_space<semaphore_mem>>) src(%dma_wait3A_27 : memref<10000x128xf32, #tpu.memory_space<hbm>>) dst(%arg11 : memref<200x128xf32, #tpu.memory_space<vmem>>)
      %dma_wait3A_28 = arith.constant 0 : i32
      %dma_wait3A_29 = tpu.memref_slice %arg4[%add3A_13, %dma_wait3A_28] : memref<320000x128xf32, #tpu.memory_space<hbm>> -> memref<200x128xf32, #tpu.memory_space<hbm>>
      %dma_wait3A_30 = arith.constant 0 : i32
      %dma_wait3A_31 = tpu.memref_slice %arg4[%add3A_13, %dma_wait3A_30] : memref<320000x128xf32, #tpu.memory_space<hbm>> -> memref<200x128xf32, #tpu.memory_space<hbm>>
      tpu.wait_dma2 semaphore(%arg15 : memref<!tpu.dma_semaphore, #tpu.memory_space<semaphore_mem>>) src(%dma_wait3A_31 : memref<200x128xf32, #tpu.memory_space<hbm>>) dst(%arg12 : memref<200x128xf32, #tpu.memory_space<vmem>>)
      %scan3A_32 = arith.constant 0 : i32
      %scan3A_33 = arith.constant 0 : i32
      %scan3A_34 = arith.constant 200 : i32
      %scan3A_35 = arith.addi %scan3A_33, %scan3A_34 : i32
      %scan3A_36 = arith.constant 1 : i32
      %scan3A_37 = scf.for %scan3A_40 = %scan3A_33 to %scan3A_35 step %scan3A_36 iter_args(%scan3A_41 = %scan3A_32) -> (i32)  : i32 {
        %get3A = arith.index_cast %scan3A_40 : i32 to index
        %get3A_42 = arith.constant 0 : index
        %get3A_43 = tpu.vector_load %arg10[%get3A, %get3A_42] {strides = array<i32>} : memref<200x128xf32, #tpu.memory_space<vmem>>, vector<1x16xf32>,
        %get3A_44 = vector.shape_cast %get3A_43 : vector<1x16xf32> to vector<16xf32>
        %get3A_45 = arith.index_cast %scan3A_40 : i32 to index
        %get3A_46 = arith.constant 0 : index
        %get3A_47 = tpu.vector_load %arg11[%get3A_45, %get3A_46] {strides = array<i32>} : memref<200x128xf32, #tpu.memory_space<vmem>>, vector<1x16xf32>,
        %get3A_48 = vector.shape_cast %get3A_47 : vector<1x16xf32> to vector<16xf32>
        %add3A_49 = arith.addf %get3A_44, %get3A_48 : vector<16xf32>
        %get3A_50 = arith.index_cast %scan3A_40 : i32 to index
        %get3A_51 = arith.constant 0 : index
        %get3A_52 = tpu.vector_load %arg12[%get3A_50, %get3A_51] {strides = array<i32>} : memref<200x128xf32, #tpu.memory_space<vmem>>, vector<1x16xf32>,
        %get3A_53 = vector.shape_cast %get3A_52 : vector<1x16xf32> to vector<16xf32>
        %add3A_54 = arith.addf %add3A_49, %get3A_53 : vector<16xf32>
        %max3A = arith.constant 0.000000e+00 : f32
        %max3A_55 = vector.broadcast %max3A : f32 to vector<16xf32>
        %max3A_56 = arith.maximumf %add3A_54, %max3A_55 : vector<16xf32>
        %swap3A = arith.index_cast %scan3A_40 : i32 to index
        %swap3A_57 = arith.constant 0 : index
        %swap3A_58 = tpu.vector_load %arg10[%swap3A, %swap3A_57] {strides = array<i32>} : memref<200x128xf32, #tpu.memory_space<vmem>>, vector<1x16xf32>,
        %swap3A_59 = vector.shape_cast %swap3A_58 : vector<1x16xf32> to vector<16xf32>
        %swap3A_60 = vector.shape_cast %max3A_56 : vector<16xf32> to vector<1x16xf32>
        tpu.vector_store %arg10[%swap3A, %swap3A_57], %swap3A_60 {strides = array<i32>} : memref<200x128xf32, #tpu.memory_space<vmem>>, vector<1x16xf32>,
        %get3A_61 = arith.index_cast %scan3A_40 : i32 to index
        %get3A_62 = arith.constant 16 : index
        %get3A_63 = tpu.vector_load %arg10[%get3A_61, %get3A_62] {strides = array<i32>} : memref<200x128xf32, #tpu.memory_space<vmem>>, vector<1x16xf32>,
        %get3A_64 = vector.shape_cast %get3A_63 : vector<1x16xf32> to vector<16xf32>
        %get3A_65 = arith.index_cast %scan3A_40 : i32 to index
        %get3A_66 = arith.constant 16 : index
        %get3A_67 = tpu.vector_load %arg11[%get3A_65, %get3A_66] {strides = array<i32>} : memref<200x128xf32, #tpu.memory_space<vmem>>, vector<1x16xf32>,
        %get3A_68 = vector.shape_cast %get3A_67 : vector<1x16xf32> to vector<16xf32>
        %add3A_69 = arith.addf %get3A_64, %get3A_68 : vector<16xf32>
        %get3A_70 = arith.index_cast %scan3A_40 : i32 to index
        %get3A_71 = arith.constant 16 : index
        %get3A_72 = tpu.vector_load %arg12[%get3A_70, %get3A_71] {strides = array<i32>} : memref<200x128xf32, #tpu.memory_space<vmem>>, vector<1x16xf32>,
        %get3A_73 = vector.shape_cast %get3A_72 : vector<1x16xf32> to vector<16xf32>
        %add3A_74 = arith.addf %add3A_69, %get3A_73 : vector<16xf32>
        %max3A_75 = arith.constant 0.000000e+00 : f32
        %max3A_76 = vector.broadcast %max3A_75 : f32 to vector<16xf32>
        %max3A_77 = arith.maximumf %add3A_74, %max3A_76 : vector<16xf32>
        %swap3A_78 = arith.index_cast %scan3A_40 : i32 to index
        %swap3A_79 = arith.constant 16 : index
        %swap3A_80 = tpu.vector_load %arg10[%swap3A_78, %swap3A_79] {strides = array<i32>} : memref<200x128xf32, #tpu.memory_space<vmem>>, vector<1x16xf32>,
        %swap3A_81 = vector.shape_cast %swap3A_80 : vector<1x16xf32> to vector<16xf32>
        %swap3A_82 = vector.shape_cast %max3A_77 : vector<16xf32> to vector<1x16xf32>
        tpu.vector_store %arg10[%swap3A_78, %swap3A_79], %swap3A_82 {strides = array<i32>} : memref<200x128xf32, #tpu.memory_space<vmem>>, vector<1x16xf32>,
        %get3A_83 = arith.index_cast %scan3A_40 : i32 to index
        %get3A_84 = arith.constant 32 : index
        %get3A_85 = tpu.vector_load %arg10[%get3A_83, %get3A_84] {strides = array<i32>} : memref<200x128xf32, #tpu.memory_space<vmem>>, vector<1x16xf32>,
        %get3A_86 = vector.shape_cast %get3A_85 : vector<1x16xf32> to vector<16xf32>
        %get3A_87 = arith.index_cast %scan3A_40 : i32 to index
        %get3A_88 = arith.constant 32 : index
        %get3A_89 = tpu.vector_load %arg11[%get3A_87, %get3A_88] {strides = array<i32>} : memref<200x128xf32, #tpu.memory_space<vmem>>, vector<1x16xf32>,
        %get3A_90 = vector.shape_cast %get3A_89 : vector<1x16xf32> to vector<16xf32>
        %add3A_91 = arith.addf %get3A_86, %get3A_90 : vector<16xf32>
        %get3A_92 = arith.index_cast %scan3A_40 : i32 to index
        %get3A_93 = arith.constant 32 : index
        %get3A_94 = tpu.vector_load %arg12[%get3A_92, %get3A_93] {strides = array<i32>} : memref<200x128xf32, #tpu.memory_space<vmem>>, vector<1x16xf32>,
        %get3A_95 = vector.shape_cast %get3A_94 : vector<1x16xf32> to vector<16xf32>
        %add3A_96 = arith.addf %add3A_91, %get3A_95 : vector<16xf32>
        %max3A_97 = arith.constant 0.000000e+00 : f32
        %max3A_98 = vector.broadcast %max3A_97 : f32 to vector<16xf32>
        %max3A_99 = arith.maximumf %add3A_96, %max3A_98 : vector<16xf32>
        %swap3A_100 = arith.index_cast %scan3A_40 : i32 to index
        %swap3A_101 = arith.constant 32 : index
        %swap3A_102 = tpu.vector_load %arg10[%swap3A_100, %swap3A_101] {strides = array<i32>} : memref<200x128xf32, #tpu.memory_space<vmem>>, vector<1x16xf32>,
        %swap3A_103 = vector.shape_cast %swap3A_102 : vector<1x16xf32> to vector<16xf32>
        %swap3A_104 = vector.shape_cast %max3A_99 : vector<16xf32> to vector<1x16xf32>
        tpu.vector_store %arg10[%swap3A_100, %swap3A_101], %swap3A_104 {strides = array<i32>} : memref<200x128xf32, #tpu.memory_space<vmem>>, vector<1x16xf32>,
        %get3A_105 = arith.index_cast %scan3A_40 : i32 to index
        %get3A_106 = arith.constant 48 : index
        %get3A_107 = tpu.vector_load %arg10[%get3A_105, %get3A_106] {strides = array<i32>} : memref<200x128xf32, #tpu.memory_space<vmem>>, vector<1x16xf32>,
        %get3A_108 = vector.shape_cast %get3A_107 : vector<1x16xf32> to vector<16xf32>
        %get3A_109 = arith.index_cast %scan3A_40 : i32 to index
        %get3A_110 = arith.constant 48 : index
        %get3A_111 = tpu.vector_load %arg11[%get3A_109, %get3A_110] {strides = array<i32>} : memref<200x128xf32, #tpu.memory_space<vmem>>, vector<1x16xf32>,
        %get3A_112 = vector.shape_cast %get3A_111 : vector<1x16xf32> to vector<16xf32>
        %add3A_113 = arith.addf %get3A_108, %get3A_112 : vector<16xf32>
        %get3A_114 = arith.index_cast %scan3A_40 : i32 to index
        %get3A_115 = arith.constant 48 : index
        %get3A_116 = tpu.vector_load %arg12[%get3A_114, %get3A_115] {strides = array<i32>} : memref<200x128xf32, #tpu.memory_space<vmem>>, vector<1x16xf32>,
        %get3A_117 = vector.shape_cast %get3A_116 : vector<1x16xf32> to vector<16xf32>
        %add3A_118 = arith.addf %add3A_113, %get3A_117 : vector<16xf32>
        %max3A_119 = arith.constant 0.000000e+00 : f32
        %max3A_120 = vector.broadcast %max3A_119 : f32 to vector<16xf32>
        %max3A_121 = arith.maximumf %add3A_118, %max3A_120 : vector<16xf32>
        %swap3A_122 = arith.index_cast %scan3A_40 : i32 to index
        %swap3A_123 = arith.constant 48 : index
        %swap3A_124 = tpu.vector_load %arg10[%swap3A_122, %swap3A_123] {strides = array<i32>} : memref<200x128xf32, #tpu.memory_space<vmem>>, vector<1x16xf32>,
        %swap3A_125 = vector.shape_cast %swap3A_124 : vector<1x16xf32> to vector<16xf32>
        %swap3A_126 = vector.shape_cast %max3A_121 : vector<16xf32> to vector<1x16xf32>
        tpu.vector_store %arg10[%swap3A_122, %swap3A_123], %swap3A_126 {strides = array<i32>} : memref<200x128xf32, #tpu.memory_space<vmem>>, vector<1x16xf32>,
        %get3A_127 = arith.index_cast %scan3A_40 : i32 to index
        %get3A_128 = arith.constant 64 : index
        %get3A_129 = tpu.vector_load %arg10[%get3A_127, %get3A_128] {strides = array<i32>} : memref<200x128xf32, #tpu.memory_space<vmem>>, vector<1x16xf32>,
        %get3A_130 = vector.shape_cast %get3A_129 : vector<1x16xf32> to vector<16xf32>
        %get3A_131 = arith.index_cast %scan3A_40 : i32 to index
        %get3A_132 = arith.constant 64 : index
        %get3A_133 = tpu.vector_load %arg11[%get3A_131, %get3A_132] {strides = array<i32>} : memref<200x128xf32, #tpu.memory_space<vmem>>, vector<1x16xf32>,
        %get3A_134 = vector.shape_cast %get3A_133 : vector<1x16xf32> to vector<16xf32>
        %add3A_135 = arith.addf %get3A_130, %get3A_134 : vector<16xf32>
        %get3A_136 = arith.index_cast %scan3A_40 : i32 to index
        %get3A_137 = arith.constant 64 : index
        %get3A_138 = tpu.vector_load %arg12[%get3A_136, %get3A_137] {strides = array<i32>} : memref<200x128xf32, #tpu.memory_space<vmem>>, vector<1x16xf32>,
        %get3A_139 = vector.shape_cast %get3A_138 : vector<1x16xf32> to vector<16xf32>
        %add3A_140 = arith.addf %add3A_135, %get3A_139 : vector<16xf32>
        %max3A_141 = arith.constant 0.000000e+00 : f32
        %max3A_142 = vector.broadcast %max3A_141 : f32 to vector<16xf32>
        %max3A_143 = arith.maximumf %add3A_140, %max3A_142 : vector<16xf32>
        %swap3A_144 = arith.index_cast %scan3A_40 : i32 to index
        %swap3A_145 = arith.constant 64 : index
        %swap3A_146 = tpu.vector_load %arg10[%swap3A_144, %swap3A_145] {strides = array<i32>} : memref<200x128xf32, #tpu.memory_space<vmem>>, vector<1x16xf32>,
        %swap3A_147 = vector.shape_cast %swap3A_146 : vector<1x16xf32> to vector<16xf32>
        %swap3A_148 = vector.shape_cast %max3A_143 : vector<16xf32> to vector<1x16xf32>
        tpu.vector_store %arg10[%swap3A_144, %swap3A_145], %swap3A_148 {strides = array<i32>} : memref<200x128xf32, #tpu.memory_space<vmem>>, vector<1x16xf32>,
        %get3A_149 = arith.index_cast %scan3A_40 : i32 to index
        %get3A_150 = arith.constant 80 : index
        %get3A_151 = tpu.vector_load %arg10[%get3A_149, %get3A_150] {strides = array<i32>} : memref<200x128xf32, #tpu.memory_space<vmem>>, vector<1x16xf32>,
        %get3A_152 = vector.shape_cast %get3A_151 : vector<1x16xf32> to vector<16xf32>
        %get3A_153 = arith.index_cast %scan3A_40 : i32 to index
        %get3A_154 = arith.constant 80 : index
        %get3A_155 = tpu.vector_load %arg11[%get3A_153, %get3A_154] {strides = array<i32>} : memref<200x128xf32, #tpu.memory_space<vmem>>, vector<1x16xf32>,
        %get3A_156 = vector.shape_cast %get3A_155 : vector<1x16xf32> to vector<16xf32>
        %add3A_157 = arith.addf %get3A_152, %get3A_156 : vector<16xf32>
        %get3A_158 = arith.index_cast %scan3A_40 : i32 to index
        %get3A_159 = arith.constant 80 : index
        %get3A_160 = tpu.vector_load %arg12[%get3A_158, %get3A_159] {strides = array<i32>} : memref<200x128xf32, #tpu.memory_space<vmem>>, vector<1x16xf32>,
        %get3A_161 = vector.shape_cast %get3A_160 : vector<1x16xf32> to vector<16xf32>
        %add3A_162 = arith.addf %add3A_157, %get3A_161 : vector<16xf32>
        %max3A_163 = arith.constant 0.000000e+00 : f32
        %max3A_164 = vector.broadcast %max3A_163 : f32 to vector<16xf32>
        %max3A_165 = arith.maximumf %add3A_162, %max3A_164 : vector<16xf32>
        %swap3A_166 = arith.index_cast %scan3A_40 : i32 to index
        %swap3A_167 = arith.constant 80 : index
        %swap3A_168 = tpu.vector_load %arg10[%swap3A_166, %swap3A_167] {strides = array<i32>} : memref<200x128xf32, #tpu.memory_space<vmem>>, vector<1x16xf32>,
        %swap3A_169 = vector.shape_cast %swap3A_168 : vector<1x16xf32> to vector<16xf32>
        %swap3A_170 = vector.shape_cast %max3A_165 : vector<16xf32> to vector<1x16xf32>
        tpu.vector_store %arg10[%swap3A_166, %swap3A_167], %swap3A_170 {strides = array<i32>} : memref<200x128xf32, #tpu.memory_space<vmem>>, vector<1x16xf32>,
        %get3A_171 = arith.index_cast %scan3A_40 : i32 to index
        %get3A_172 = arith.constant 96 : index
        %get3A_173 = tpu.vector_load %arg10[%get3A_171, %get3A_172] {strides = array<i32>} : memref<200x128xf32, #tpu.memory_space<vmem>>, vector<1x16xf32>,
        %get3A_174 = vector.shape_cast %get3A_173 : vector<1x16xf32> to vector<16xf32>
        %get3A_175 = arith.index_cast %scan3A_40 : i32 to index
        %get3A_176 = arith.constant 96 : index
        %get3A_177 = tpu.vector_load %arg11[%get3A_175, %get3A_176] {strides = array<i32>} : memref<200x128xf32, #tpu.memory_space<vmem>>, vector<1x16xf32>,
        %get3A_178 = vector.shape_cast %get3A_177 : vector<1x16xf32> to vector<16xf32>
        %add3A_179 = arith.addf %get3A_174, %get3A_178 : vector<16xf32>
        %get3A_180 = arith.index_cast %scan3A_40 : i32 to index
        %get3A_181 = arith.constant 96 : index
        %get3A_182 = tpu.vector_load %arg12[%get3A_180, %get3A_181] {strides = array<i32>} : memref<200x128xf32, #tpu.memory_space<vmem>>, vector<1x16xf32>,
        %get3A_183 = vector.shape_cast %get3A_182 : vector<1x16xf32> to vector<16xf32>
        %add3A_184 = arith.addf %add3A_179, %get3A_183 : vector<16xf32>
        %max3A_185 = arith.constant 0.000000e+00 : f32
        %max3A_186 = vector.broadcast %max3A_185 : f32 to vector<16xf32>
        %max3A_187 = arith.maximumf %add3A_184, %max3A_186 : vector<16xf32>
        %swap3A_188 = arith.index_cast %scan3A_40 : i32 to index
        %swap3A_189 = arith.constant 96 : index
        %swap3A_190 = tpu.vector_load %arg10[%swap3A_188, %swap3A_189] {strides = array<i32>} : memref<200x128xf32, #tpu.memory_space<vmem>>, vector<1x16xf32>,
        %swap3A_191 = vector.shape_cast %swap3A_190 : vector<1x16xf32> to vector<16xf32>
        %swap3A_192 = vector.shape_cast %max3A_187 : vector<16xf32> to vector<1x16xf32>
        tpu.vector_store %arg10[%swap3A_188, %swap3A_189], %swap3A_192 {strides = array<i32>} : memref<200x128xf32, #tpu.memory_space<vmem>>, vector<1x16xf32>,
        %get3A_193 = arith.index_cast %scan3A_40 : i32 to index
        %get3A_194 = arith.constant 112 : index
        %get3A_195 = tpu.vector_load %arg10[%get3A_193, %get3A_194] {strides = array<i32>} : memref<200x128xf32, #tpu.memory_space<vmem>>, vector<1x16xf32>,
        %get3A_196 = vector.shape_cast %get3A_195 : vector<1x16xf32> to vector<16xf32>
        %get3A_197 = arith.index_cast %scan3A_40 : i32 to index
        %get3A_198 = arith.constant 112 : index
        %get3A_199 = tpu.vector_load %arg11[%get3A_197, %get3A_198] {strides = array<i32>} : memref<200x128xf32, #tpu.memory_space<vmem>>, vector<1x16xf32>,
        %get3A_200 = vector.shape_cast %get3A_199 : vector<1x16xf32> to vector<16xf32>
        %add3A_201 = arith.addf %get3A_196, %get3A_200 : vector<16xf32>
        %get3A_202 = arith.index_cast %scan3A_40 : i32 to index
        %get3A_203 = arith.constant 112 : index
        %get3A_204 = tpu.vector_load %arg12[%get3A_202, %get3A_203] {strides = array<i32>} : memref<200x128xf32, #tpu.memory_space<vmem>>, vector<1x16xf32>,
        %get3A_205 = vector.shape_cast %get3A_204 : vector<1x16xf32> to vector<16xf32>
        %add3A_206 = arith.addf %add3A_201, %get3A_205 : vector<16xf32>
        %max3A_207 = arith.constant 0.000000e+00 : f32
        %max3A_208 = vector.broadcast %max3A_207 : f32 to vector<16xf32>
        %max3A_209 = arith.maximumf %add3A_206, %max3A_208 : vector<16xf32>
        %swap3A_210 = arith.index_cast %scan3A_40 : i32 to index
        %swap3A_211 = arith.constant 112 : index
        %swap3A_212 = tpu.vector_load %arg10[%swap3A_210, %swap3A_211] {strides = array<i32>} : memref<200x128xf32, #tpu.memory_space<vmem>>, vector<1x16xf32>,
        %swap3A_213 = vector.shape_cast %swap3A_212 : vector<1x16xf32> to vector<16xf32>
        %swap3A_214 = vector.shape_cast %max3A_209 : vector<16xf32> to vector<1x16xf32>
        tpu.vector_store %arg10[%swap3A_210, %swap3A_211], %swap3A_214 {strides = array<i32>} : memref<200x128xf32, #tpu.memory_space<vmem>>, vector<1x16xf32>,
        %scan3A_215 = arith.constant 0 : i32
        scf.yield %scan3A_215 : i32
      }
      %scan3A_38 = arith.constant 200 : i32
      "tpu.region"() ({
        %run_scoped3A = tpu.sem_alloc : memref<!tpu.dma_semaphore, #tpu.memory_space<semaphore_mem>>
        %dma_start3A_40 = arith.constant 0 : i32
        %dma_start3A_41 = tpu.memref_slice %arg7[%add3A_13, %dma_start3A_40] : memref<320000x128xf32, #tpu.memory_space<hbm>> -> memref<200x128xf32, #tpu.memory_space<hbm>>
        %dma_start3A_42 = arith.constant 0 : i32
        %dma_start3A_43 = tpu.memref_slice %arg7[%add3A_13, %dma_start3A_42] : memref<320000x128xf32, #tpu.memory_space<hbm>> -> memref<200x128xf32, #tpu.memory_space<hbm>>
        tpu.enqueue_dma source(%arg10 : memref<200x128xf32, #tpu.memory_space<vmem>>) target(%dma_start3A_43 : memref<200x128xf32, #tpu.memory_space<hbm>>) target_semaphore(%run_scoped3A : memref<!tpu.dma_semaphore, #tpu.memory_space<semaphore_mem>>)
        %dma_wait3A_44 = arith.constant 0 : i32
        %dma_wait3A_45 = tpu.memref_slice %arg7[%add3A_13, %dma_wait3A_44] : memref<320000x128xf32, #tpu.memory_space<hbm>> -> memref<200x128xf32, #tpu.memory_space<hbm>>
        %dma_wait3A_46 = arith.constant 0 : i32
        %dma_wait3A_47 = tpu.memref_slice %arg7[%add3A_13, %dma_wait3A_46] : memref<320000x128xf32, #tpu.memory_space<hbm>> -> memref<200x128xf32, #tpu.memory_space<hbm>>
        tpu.wait_dma2 semaphore(%run_scoped3A : memref<!tpu.dma_semaphore, #tpu.memory_space<semaphore_mem>>) src(%arg10 : memref<200x128xf32, #tpu.memory_space<vmem>>) dst(%dma_wait3A_47 : memref<200x128xf32, #tpu.memory_space<hbm>>)
        tpu.yield
      }) : () -> ()
      %scan3A_39 = arith.constant 0 : i32
      scf.yield %scan3A_39 : i32
    }
    %scan3A_8 = arith.constant 50 : i32
    return
  }
}

#map = affine_map<(d0, d1) -> (0, 0)>
#map1 = affine_map<(d0, d1) -> (0)>
module attributes {stable_mosaic.version = 14 : i64} {
  func.func @edge_kernel(%arg0: i32, %arg1: i32, %arg2: memref<10000x128xf32, #tpu.memory_space<hbm>>, %arg3: memref<10000x128xf32, #tpu.memory_space<hbm>>, %arg4: memref<320000x128xf32, #tpu.memory_space<hbm>>, %arg5: memref<320000xi32, #tpu.memory_space<hbm>>, %arg6: memref<320000xi32, #tpu.memory_space<hbm>>, %arg7: memref<320000x128xf32, #tpu.memory_space<hbm>>, %arg8: memref<200xi32, #tpu.memory_space<vmem>>, %arg9: memref<200xi32, #tpu.memory_space<vmem>>, %arg10: memref<200x128xf32, #tpu.memory_space<vmem>>, %arg11: memref<200x128xf32, #tpu.memory_space<vmem>>, %arg12: memref<200x128xf32, #tpu.memory_space<vmem>>, %arg13: memref<!tpu.dma_semaphore, #tpu.memory_space<semaphore_mem>>, %arg14: memref<!tpu.dma_semaphore, #tpu.memory_space<semaphore_mem>>, %arg15: memref<!tpu.dma_semaphore, #tpu.memory_space<semaphore_mem>>) attributes {dimension_semantics = [#tpu.dimension_semantics<core_parallel>, #tpu.dimension_semantics<subcore_parallel>], iteration_bounds = array<i64: 2, 16>, scalar_prefetch = 0 : i64, scratch_operands = 8 : i64, tpu.core_type = #tpu.core_type<sc_vector_subcore>, window_params = [{transform_indices = #map}, {transform_indices = #map}, {transform_indices = #map}, {transform_indices = #map1}, {transform_indices = #map1}, {transform_indices = #map}]} {
    %mul3A = arith.constant 16 : i32
    %mul3A_0 = arith.muli %arg0, %mul3A : i32
    %add3A = arith.addi %mul3A_0, %arg1 : i32
    %mul3A_1 = arith.constant 10000 : i32
    %mul3A_2 = arith.muli %add3A, %mul3A_1 : i32
    %scan3A = arith.constant 0 : i32
    %scan3A_3 = arith.constant 0 : i32
    %scan3A_4 = arith.constant 50 : i32
    %scan3A_5 = arith.addi %scan3A_3, %scan3A_4 : i32
    %scan3A_6 = arith.constant 1 : i32
    %scan3A_7 = scf.for %scan3A_9 = %scan3A_3 to %scan3A_5 step %scan3A_6 iter_args(%scan3A_10 = %scan3A) -> (i32)  : i32 {
      %mul3A_11 = arith.constant 200 : i32
      %mul3A_12 = arith.muli %scan3A_9, %mul3A_11 : i32
      %add3A_13 = arith.addi %mul3A_2, %mul3A_12 : i32
      "tpu.region"() ({
        %run_scoped3A = tpu.sem_alloc : memref<!tpu.dma_semaphore, #tpu.memory_space<semaphore_mem>>
        %dma_start3A_40 = tpu.memref_slice %arg5[%add3A_13] : memref<320000xi32, #tpu.memory_space<hbm>> -> memref<200xi32, #tpu.memory_space<hbm>>
        %dma_start3A_41 = tpu.memref_slice %arg5[%add3A_13] : memref<320000xi32, #tpu.memory_space<hbm>> -> memref<200xi32, #tpu.memory_space<hbm>>
        tpu.enqueue_dma source(%dma_start3A_41 : memref<200xi32, #tpu.memory_space<hbm>>) target(%arg8 : memref<200xi32, #tpu.memory_space<vmem>>) target_semaphore(%run_scoped3A : memref<!tpu.dma_semaphore, #tpu.memory_space<semaphore_mem>>)
        %dma_wait3A_42 = tpu.memref_slice %arg5[%add3A_13] : memref<320000xi32, #tpu.memory_space<hbm>> -> memref<200xi32, #tpu.memory_space<hbm>>
        %dma_wait3A_43 = tpu.memref_slice %arg5[%add3A_13] : memref<320000xi32, #tpu.memory_space<hbm>> -> memref<200xi32, #tpu.memory_space<hbm>>
        tpu.wait_dma2 semaphore(%run_scoped3A : memref<!tpu.dma_semaphore, #tpu.memory_space<semaphore_mem>>) src(%dma_wait3A_43 : memref<200xi32, #tpu.memory_space<hbm>>) dst(%arg8 : memref<200xi32, #tpu.memory_space<vmem>>)
        tpu.yield
      }) : () -> ()
      "tpu.region"() ({
        %run_scoped3A = tpu.sem_alloc : memref<!tpu.dma_semaphore, #tpu.memory_space<semaphore_mem>>
        %dma_start3A_40 = tpu.memref_slice %arg6[%add3A_13] : memref<320000xi32, #tpu.memory_space<hbm>> -> memref<200xi32, #tpu.memory_space<hbm>>
        %dma_start3A_41 = tpu.memref_slice %arg6[%add3A_13] : memref<320000xi32, #tpu.memory_space<hbm>> -> memref<200xi32, #tpu.memory_space<hbm>>
        tpu.enqueue_dma source(%dma_start3A_41 : memref<200xi32, #tpu.memory_space<hbm>>) target(%arg9 : memref<200xi32, #tpu.memory_space<vmem>>) target_semaphore(%run_scoped3A : memref<!tpu.dma_semaphore, #tpu.memory_space<semaphore_mem>>)
        %dma_wait3A_42 = tpu.memref_slice %arg6[%add3A_13] : memref<320000xi32, #tpu.memory_space<hbm>> -> memref<200xi32, #tpu.memory_space<hbm>>
        %dma_wait3A_43 = tpu.memref_slice %arg6[%add3A_13] : memref<320000xi32, #tpu.memory_space<hbm>> -> memref<200xi32, #tpu.memory_space<hbm>>
        tpu.wait_dma2 semaphore(%run_scoped3A : memref<!tpu.dma_semaphore, #tpu.memory_space<semaphore_mem>>) src(%dma_wait3A_43 : memref<200xi32, #tpu.memory_space<hbm>>) dst(%arg9 : memref<200xi32, #tpu.memory_space<vmem>>)
        tpu.yield
      }) : () -> ()
      %dma_start3A = arith.constant 0 : i32
      %dma_start3A_14 = arith.constant 0 : i32
      %dma_start3A_15 = tpu.memref_slice %arg2[%dma_start3A, %dma_start3A_14] : memref<10000x128xf32, #tpu.memory_space<hbm>> -> memref<10000x128xf32, #tpu.memory_space<hbm>>
      tpu.enqueue_indirect_dma source(%dma_start3A_15 : memref<10000x128xf32, #tpu.memory_space<hbm>>) target(%arg10 : memref<200x128xf32, #tpu.memory_space<vmem>>) offsets(%arg8 : memref<200xi32, #tpu.memory_space<vmem>>) semaphore(%arg13 : memref<!tpu.dma_semaphore, #tpu.memory_space<semaphore_mem>>)
      %dma_start3A_16 = arith.constant 0 : i32
      %dma_start3A_17 = arith.constant 0 : i32
      %dma_start3A_18 = tpu.memref_slice %arg3[%dma_start3A_16, %dma_start3A_17] : memref<10000x128xf32, #tpu.memory_space<hbm>> -> memref<10000x128xf32, #tpu.memory_space<hbm>>
      tpu.enqueue_indirect_dma source(%dma_start3A_18 : memref<10000x128xf32, #tpu.memory_space<hbm>>) target(%arg11 : memref<200x128xf32, #tpu.memory_space<vmem>>) offsets(%arg9 : memref<200xi32, #tpu.memory_space<vmem>>) semaphore(%arg14 : memref<!tpu.dma_semaphore, #tpu.memory_space<semaphore_mem>>)
      %dma_start3A_19 = arith.constant 0 : i32
      %dma_start3A_20 = tpu.memref_slice %arg4[%add3A_13, %dma_start3A_19] : memref<320000x128xf32, #tpu.memory_space<hbm>> -> memref<200x128xf32, #tpu.memory_space<hbm>>
      %dma_start3A_21 = arith.constant 0 : i32
      %dma_start3A_22 = tpu.memref_slice %arg4[%add3A_13, %dma_start3A_21] : memref<320000x128xf32, #tpu.memory_space<hbm>> -> memref<200x128xf32, #tpu.memory_space<hbm>>
      tpu.enqueue_dma source(%dma_start3A_22 : memref<200x128xf32, #tpu.memory_space<hbm>>) target(%arg12 : memref<200x128xf32, #tpu.memory_space<vmem>>) target_semaphore(%arg15 : memref<!tpu.dma_semaphore, #tpu.memory_space<semaphore_mem>>)
      %dma_wait3A = arith.constant 0 : i32
      %dma_wait3A_23 = arith.constant 0 : i32
      %dma_wait3A_24 = tpu.memref_slice %arg2[%dma_wait3A, %dma_wait3A_23] : memref<10000x128xf32, #tpu.memory_space<hbm>> -> memref<10000x128xf32, #tpu.memory_space<hbm>>
      tpu.wait_indirect_dma semaphore(%arg13 : memref<!tpu.dma_semaphore, #tpu.memory_space<semaphore_mem>>) src(%dma_wait3A_24 : memref<10000x128xf32, #tpu.memory_space<hbm>>) dst(%arg10 : memref<200x128xf32, #tpu.memory_space<vmem>>)
      %dma_wait3A_25 = arith.constant 0 : i32
      %dma_wait3A_26 = arith.constant 0 : i32
      %dma_wait3A_27 = tpu.memref_slice %arg3[%dma_wait3A_25, %dma_wait3A_26] : memref<10000x128xf32, #tpu.memory_space<hbm>> -> memref<10000x128xf32, #tpu.memory_space<hbm>>
      tpu.wait_indirect_dma semaphore(%arg14 : memref<!tpu.dma_semaphore, #tpu.memory_space<semaphore_mem>>) src(%dma_wait3A_27 : memref<10000x128xf32, #tpu.memory_space<hbm>>) dst(%arg11 : memref<200x128xf32, #tpu.memory_space<vmem>>)
      %dma_wait3A_28 = arith.constant 0 : i32
      %dma_wait3A_29 = tpu.memref_slice %arg4[%add3A_13, %dma_wait3A_28] : memref<320000x128xf32, #tpu.memory_space<hbm>> -> memref<200x128xf32, #tpu.memory_space<hbm>>
      %dma_wait3A_30 = arith.constant 0 : i32
      %dma_wait3A_31 = tpu.memref_slice %arg4[%add3A_13, %dma_wait3A_30] : memref<320000x128xf32, #tpu.memory_space<hbm>> -> memref<200x128xf32, #tpu.memory_space<hbm>>
      tpu.wait_dma2 semaphore(%arg15 : memref<!tpu.dma_semaphore, #tpu.memory_space<semaphore_mem>>) src(%dma_wait3A_31 : memref<200x128xf32, #tpu.memory_space<hbm>>) dst(%arg12 : memref<200x128xf32, #tpu.memory_space<vmem>>)
      %scan3A_32 = arith.constant 0 : i32
      %scan3A_33 = arith.constant 0 : i32
      %scan3A_34 = arith.constant 200 : i32
      %scan3A_35 = arith.addi %scan3A_33, %scan3A_34 : i32
      %scan3A_36 = arith.constant 1 : i32
      %scan3A_37 = scf.for %scan3A_40 = %scan3A_33 to %scan3A_35 step %scan3A_36 iter_args(%scan3A_41 = %scan3A_32) -> (i32)  : i32 {
        %get3A = arith.index_cast %scan3A_40 : i32 to index
        %get3A_42 = arith.constant 0 : index
        %get3A_43 = tpu.vector_load %arg10[%get3A, %get3A_42] {strides = array<i32>} : memref<200x128xf32, #tpu.memory_space<vmem>>, vector<1x16xf32>,
        %get3A_44 = vector.shape_cast %get3A_43 : vector<1x16xf32> to vector<16xf32>
        %get3A_45 = arith.index_cast %scan3A_40 : i32 to index
        %get3A_46 = arith.constant 0 : index
        %get3A_47 = tpu.vector_load %arg11[%get3A_45, %get3A_46] {strides = array<i32>} : memref<200x128xf32, #tpu.memory_space<vmem>>, vector<1x16xf32>,
        %get3A_48 = vector.shape_cast %get3A_47 : vector<1x16xf32> to vector<16xf32>
        %add3A_49 = arith.addf %get3A_44, %get3A_48 : vector<16xf32>
        %get3A_50 = arith.index_cast %scan3A_40 : i32 to index
        %get3A_51 = arith.constant 0 : index
        %get3A_52 = tpu.vector_load %arg12[%get3A_50, %get3A_51] {strides = array<i32>} : memref<200x128xf32, #tpu.memory_space<vmem>>, vector<1x16xf32>,
        %get3A_53 = vector.shape_cast %get3A_52 : vector<1x16xf32> to vector<16xf32>
        %add3A_54 = arith.addf %add3A_49, %get3A_53 : vector<16xf32>
        %max3A = arith.constant 0.000000e+00 : f32
        %max3A_55 = vector.broadcast %max3A : f32 to vector<16xf32>
        %max3A_56 = arith.maximumf %add3A_54, %max3A_55 : vector<16xf32>
        %swap3A = arith.index_cast %scan3A_40 : i32 to index
        %swap3A_57 = arith.constant 0 : index
        %swap3A_58 = tpu.vector_load %arg10[%swap3A, %swap3A_57] {strides = array<i32>} : memref<200x128xf32, #tpu.memory_space<vmem>>, vector<1x16xf32>,
        %swap3A_59 = vector.shape_cast %swap3A_58 : vector<1x16xf32> to vector<16xf32>
        %swap3A_60 = vector.shape_cast %max3A_56 : vector<16xf32> to vector<1x16xf32>
        tpu.vector_store %arg10[%swap3A, %swap3A_57], %swap3A_60 {strides = array<i32>} : memref<200x128xf32, #tpu.memory_space<vmem>>, vector<1x16xf32>,
        %get3A_61 = arith.index_cast %scan3A_40 : i32 to index
        %get3A_62 = arith.constant 16 : index
        %get3A_63 = tpu.vector_load %arg10[%get3A_61, %get3A_62] {strides = array<i32>} : memref<200x128xf32, #tpu.memory_space<vmem>>, vector<1x16xf32>,
        %get3A_64 = vector.shape_cast %get3A_63 : vector<1x16xf32> to vector<16xf32>
        %get3A_65 = arith.index_cast %scan3A_40 : i32 to index
        %get3A_66 = arith.constant 16 : index
        %get3A_67 = tpu.vector_load %arg11[%get3A_65, %get3A_66] {strides = array<i32>} : memref<200x128xf32, #tpu.memory_space<vmem>>, vector<1x16xf32>,
        %get3A_68 = vector.shape_cast %get3A_67 : vector<1x16xf32> to vector<16xf32>
        %add3A_69 = arith.addf %get3A_64, %get3A_68 : vector<16xf32>
        %get3A_70 = arith.index_cast %scan3A_40 : i32 to index
        %get3A_71 = arith.constant 16 : index
        %get3A_72 = tpu.vector_load %arg12[%get3A_70, %get3A_71] {strides = array<i32>} : memref<200x128xf32, #tpu.memory_space<vmem>>, vector<1x16xf32>,
        %get3A_73 = vector.shape_cast %get3A_72 : vector<1x16xf32> to vector<16xf32>
        %add3A_74 = arith.addf %add3A_69, %get3A_73 : vector<16xf32>
        %max3A_75 = arith.constant 0.000000e+00 : f32
        %max3A_76 = vector.broadcast %max3A_75 : f32 to vector<16xf32>
        %max3A_77 = arith.maximumf %add3A_74, %max3A_76 : vector<16xf32>
        %swap3A_78 = arith.index_cast %scan3A_40 : i32 to index
        %swap3A_79 = arith.constant 16 : index
        %swap3A_80 = tpu.vector_load %arg10[%swap3A_78, %swap3A_79] {strides = array<i32>} : memref<200x128xf32, #tpu.memory_space<vmem>>, vector<1x16xf32>,
        %swap3A_81 = vector.shape_cast %swap3A_80 : vector<1x16xf32> to vector<16xf32>
        %swap3A_82 = vector.shape_cast %max3A_77 : vector<16xf32> to vector<1x16xf32>
        tpu.vector_store %arg10[%swap3A_78, %swap3A_79], %swap3A_82 {strides = array<i32>} : memref<200x128xf32, #tpu.memory_space<vmem>>, vector<1x16xf32>,
        %get3A_83 = arith.index_cast %scan3A_40 : i32 to index
        %get3A_84 = arith.constant 32 : index
        %get3A_85 = tpu.vector_load %arg10[%get3A_83, %get3A_84] {strides = array<i32>} : memref<200x128xf32, #tpu.memory_space<vmem>>, vector<1x16xf32>,
        %get3A_86 = vector.shape_cast %get3A_85 : vector<1x16xf32> to vector<16xf32>
        %get3A_87 = arith.index_cast %scan3A_40 : i32 to index
        %get3A_88 = arith.constant 32 : index
        %get3A_89 = tpu.vector_load %arg11[%get3A_87, %get3A_88] {strides = array<i32>} : memref<200x128xf32, #tpu.memory_space<vmem>>, vector<1x16xf32>,
        %get3A_90 = vector.shape_cast %get3A_89 : vector<1x16xf32> to vector<16xf32>
        %add3A_91 = arith.addf %get3A_86, %get3A_90 : vector<16xf32>
        %get3A_92 = arith.index_cast %scan3A_40 : i32 to index
        %get3A_93 = arith.constant 32 : index
        %get3A_94 = tpu.vector_load %arg12[%get3A_92, %get3A_93] {strides = array<i32>} : memref<200x128xf32, #tpu.memory_space<vmem>>, vector<1x16xf32>,
        %get3A_95 = vector.shape_cast %get3A_94 : vector<1x16xf32> to vector<16xf32>
        %add3A_96 = arith.addf %add3A_91, %get3A_95 : vector<16xf32>
        %max3A_97 = arith.constant 0.000000e+00 : f32
        %max3A_98 = vector.broadcast %max3A_97 : f32 to vector<16xf32>
        %max3A_99 = arith.maximumf %add3A_96, %max3A_98 : vector<16xf32>
        %swap3A_100 = arith.index_cast %scan3A_40 : i32 to index
        %swap3A_101 = arith.constant 32 : index
        %swap3A_102 = tpu.vector_load %arg10[%swap3A_100, %swap3A_101] {strides = array<i32>} : memref<200x128xf32, #tpu.memory_space<vmem>>, vector<1x16xf32>,
        %swap3A_103 = vector.shape_cast %swap3A_102 : vector<1x16xf32> to vector<16xf32>
        %swap3A_104 = vector.shape_cast %max3A_99 : vector<16xf32> to vector<1x16xf32>
        tpu.vector_store %arg10[%swap3A_100, %swap3A_101], %swap3A_104 {strides = array<i32>} : memref<200x128xf32, #tpu.memory_space<vmem>>, vector<1x16xf32>,
        %get3A_105 = arith.index_cast %scan3A_40 : i32 to index
        %get3A_106 = arith.constant 48 : index
        %get3A_107 = tpu.vector_load %arg10[%get3A_105, %get3A_106] {strides = array<i32>} : memref<200x128xf32, #tpu.memory_space<vmem>>, vector<1x16xf32>,
        %get3A_108 = vector.shape_cast %get3A_107 : vector<1x16xf32> to vector<16xf32>
        %get3A_109 = arith.index_cast %scan3A_40 : i32 to index
        %get3A_110 = arith.constant 48 : index
        %get3A_111 = tpu.vector_load %arg11[%get3A_109, %get3A_110] {strides = array<i32>} : memref<200x128xf32, #tpu.memory_space<vmem>>, vector<1x16xf32>,
        %get3A_112 = vector.shape_cast %get3A_111 : vector<1x16xf32> to vector<16xf32>
        %add3A_113 = arith.addf %get3A_108, %get3A_112 : vector<16xf32>
        %get3A_114 = arith.index_cast %scan3A_40 : i32 to index
        %get3A_115 = arith.constant 48 : index
        %get3A_116 = tpu.vector_load %arg12[%get3A_114, %get3A_115] {strides = array<i32>} : memref<200x128xf32, #tpu.memory_space<vmem>>, vector<1x16xf32>,
        %get3A_117 = vector.shape_cast %get3A_116 : vector<1x16xf32> to vector<16xf32>
        %add3A_118 = arith.addf %add3A_113, %get3A_117 : vector<16xf32>
        %max3A_119 = arith.constant 0.000000e+00 : f32
        %max3A_120 = vector.broadcast %max3A_119 : f32 to vector<16xf32>
        %max3A_121 = arith.maximumf %add3A_118, %max3A_120 : vector<16xf32>
        %swap3A_122 = arith.index_cast %scan3A_40 : i32 to index
        %swap3A_123 = arith.constant 48 : index
        %swap3A_124 = tpu.vector_load %arg10[%swap3A_122, %swap3A_123] {strides = array<i32>} : memref<200x128xf32, #tpu.memory_space<vmem>>, vector<1x16xf32>,
        %swap3A_125 = vector.shape_cast %swap3A_124 : vector<1x16xf32> to vector<16xf32>
        %swap3A_126 = vector.shape_cast %max3A_121 : vector<16xf32> to vector<1x16xf32>
        tpu.vector_store %arg10[%swap3A_122, %swap3A_123], %swap3A_126 {strides = array<i32>} : memref<200x128xf32, #tpu.memory_space<vmem>>, vector<1x16xf32>,
        %get3A_127 = arith.index_cast %scan3A_40 : i32 to index
        %get3A_128 = arith.constant 64 : index
        %get3A_129 = tpu.vector_load %arg10[%get3A_127, %get3A_128] {strides = array<i32>} : memref<200x128xf32, #tpu.memory_space<vmem>>, vector<1x16xf32>,
        %get3A_130 = vector.shape_cast %get3A_129 : vector<1x16xf32> to vector<16xf32>
        %get3A_131 = arith.index_cast %scan3A_40 : i32 to index
        %get3A_132 = arith.constant 64 : index
        %get3A_133 = tpu.vector_load %arg11[%get3A_131, %get3A_132] {strides = array<i32>} : memref<200x128xf32, #tpu.memory_space<vmem>>, vector<1x16xf32>,
        %get3A_134 = vector.shape_cast %get3A_133 : vector<1x16xf32> to vector<16xf32>
        %add3A_135 = arith.addf %get3A_130, %get3A_134 : vector<16xf32>
        %get3A_136 = arith.index_cast %scan3A_40 : i32 to index
        %get3A_137 = arith.constant 64 : index
        %get3A_138 = tpu.vector_load %arg12[%get3A_136, %get3A_137] {strides = array<i32>} : memref<200x128xf32, #tpu.memory_space<vmem>>, vector<1x16xf32>,
        %get3A_139 = vector.shape_cast %get3A_138 : vector<1x16xf32> to vector<16xf32>
        %add3A_140 = arith.addf %add3A_135, %get3A_139 : vector<16xf32>
        %max3A_141 = arith.constant 0.000000e+00 : f32
        %max3A_142 = vector.broadcast %max3A_141 : f32 to vector<16xf32>
        %max3A_143 = arith.maximumf %add3A_140, %max3A_142 : vector<16xf32>
        %swap3A_144 = arith.index_cast %scan3A_40 : i32 to index
        %swap3A_145 = arith.constant 64 : index
        %swap3A_146 = tpu.vector_load %arg10[%swap3A_144, %swap3A_145] {strides = array<i32>} : memref<200x128xf32, #tpu.memory_space<vmem>>, vector<1x16xf32>,
        %swap3A_147 = vector.shape_cast %swap3A_146 : vector<1x16xf32> to vector<16xf32>
        %swap3A_148 = vector.shape_cast %max3A_143 : vector<16xf32> to vector<1x16xf32>
        tpu.vector_store %arg10[%swap3A_144, %swap3A_145], %swap3A_148 {strides = array<i32>} : memref<200x128xf32, #tpu.memory_space<vmem>>, vector<1x16xf32>,
        %get3A_149 = arith.index_cast %scan3A_40 : i32 to index
        %get3A_150 = arith.constant 80 : index
        %get3A_151 = tpu.vector_load %arg10[%get3A_149, %get3A_150] {strides = array<i32>} : memref<200x128xf32, #tpu.memory_space<vmem>>, vector<1x16xf32>,
        %get3A_152 = vector.shape_cast %get3A_151 : vector<1x16xf32> to vector<16xf32>
        %get3A_153 = arith.index_cast %scan3A_40 : i32 to index
        %get3A_154 = arith.constant 80 : index
        %get3A_155 = tpu.vector_load %arg11[%get3A_153, %get3A_154] {strides = array<i32>} : memref<200x128xf32, #tpu.memory_space<vmem>>, vector<1x16xf32>,
        %get3A_156 = vector.shape_cast %get3A_155 : vector<1x16xf32> to vector<16xf32>
        %add3A_157 = arith.addf %get3A_152, %get3A_156 : vector<16xf32>
        %get3A_158 = arith.index_cast %scan3A_40 : i32 to index
        %get3A_159 = arith.constant 80 : index
        %get3A_160 = tpu.vector_load %arg12[%get3A_158, %get3A_159] {strides = array<i32>} : memref<200x128xf32, #tpu.memory_space<vmem>>, vector<1x16xf32>,
        %get3A_161 = vector.shape_cast %get3A_160 : vector<1x16xf32> to vector<16xf32>
        %add3A_162 = arith.addf %add3A_157, %get3A_161 : vector<16xf32>
        %max3A_163 = arith.constant 0.000000e+00 : f32
        %max3A_164 = vector.broadcast %max3A_163 : f32 to vector<16xf32>
        %max3A_165 = arith.maximumf %add3A_162, %max3A_164 : vector<16xf32>
        %swap3A_166 = arith.index_cast %scan3A_40 : i32 to index
        %swap3A_167 = arith.constant 80 : index
        %swap3A_168 = tpu.vector_load %arg10[%swap3A_166, %swap3A_167] {strides = array<i32>} : memref<200x128xf32, #tpu.memory_space<vmem>>, vector<1x16xf32>,
        %swap3A_169 = vector.shape_cast %swap3A_168 : vector<1x16xf32> to vector<16xf32>
        %swap3A_170 = vector.shape_cast %max3A_165 : vector<16xf32> to vector<1x16xf32>
        tpu.vector_store %arg10[%swap3A_166, %swap3A_167], %swap3A_170 {strides = array<i32>} : memref<200x128xf32, #tpu.memory_space<vmem>>, vector<1x16xf32>,
        %get3A_171 = arith.index_cast %scan3A_40 : i32 to index
        %get3A_172 = arith.constant 96 : index
        %get3A_173 = tpu.vector_load %arg10[%get3A_171, %get3A_172] {strides = array<i32>} : memref<200x128xf32, #tpu.memory_space<vmem>>, vector<1x16xf32>,
        %get3A_174 = vector.shape_cast %get3A_173 : vector<1x16xf32> to vector<16xf32>
        %get3A_175 = arith.index_cast %scan3A_40 : i32 to index
        %get3A_176 = arith.constant 96 : index
        %get3A_177 = tpu.vector_load %arg11[%get3A_175, %get3A_176] {strides = array<i32>} : memref<200x128xf32, #tpu.memory_space<vmem>>, vector<1x16xf32>,
        %get3A_178 = vector.shape_cast %get3A_177 : vector<1x16xf32> to vector<16xf32>
        %add3A_179 = arith.addf %get3A_174, %get3A_178 : vector<16xf32>
        %get3A_180 = arith.index_cast %scan3A_40 : i32 to index
        %get3A_181 = arith.constant 96 : index
        %get3A_182 = tpu.vector_load %arg12[%get3A_180, %get3A_181] {strides = array<i32>} : memref<200x128xf32, #tpu.memory_space<vmem>>, vector<1x16xf32>,
        %get3A_183 = vector.shape_cast %get3A_182 : vector<1x16xf32> to vector<16xf32>
        %add3A_184 = arith.addf %add3A_179, %get3A_183 : vector<16xf32>
        %max3A_185 = arith.constant 0.000000e+00 : f32
        %max3A_186 = vector.broadcast %max3A_185 : f32 to vector<16xf32>
        %max3A_187 = arith.maximumf %add3A_184, %max3A_186 : vector<16xf32>
        %swap3A_188 = arith.index_cast %scan3A_40 : i32 to index
        %swap3A_189 = arith.constant 96 : index
        %swap3A_190 = tpu.vector_load %arg10[%swap3A_188, %swap3A_189] {strides = array<i32>} : memref<200x128xf32, #tpu.memory_space<vmem>>, vector<1x16xf32>,
        %swap3A_191 = vector.shape_cast %swap3A_190 : vector<1x16xf32> to vector<16xf32>
        %swap3A_192 = vector.shape_cast %max3A_187 : vector<16xf32> to vector<1x16xf32>
        tpu.vector_store %arg10[%swap3A_188, %swap3A_189], %swap3A_192 {strides = array<i32>} : memref<200x128xf32, #tpu.memory_space<vmem>>, vector<1x16xf32>,
        %get3A_193 = arith.index_cast %scan3A_40 : i32 to index
        %get3A_194 = arith.constant 112 : index
        %get3A_195 = tpu.vector_load %arg10[%get3A_193, %get3A_194] {strides = array<i32>} : memref<200x128xf32, #tpu.memory_space<vmem>>, vector<1x16xf32>,
        %get3A_196 = vector.shape_cast %get3A_195 : vector<1x16xf32> to vector<16xf32>
        %get3A_197 = arith.index_cast %scan3A_40 : i32 to index
        %get3A_198 = arith.constant 112 : index
        %get3A_199 = tpu.vector_load %arg11[%get3A_197, %get3A_198] {strides = array<i32>} : memref<200x128xf32, #tpu.memory_space<vmem>>, vector<1x16xf32>,
        %get3A_200 = vector.shape_cast %get3A_199 : vector<1x16xf32> to vector<16xf32>
        %add3A_201 = arith.addf %get3A_196, %get3A_200 : vector<16xf32>
        %get3A_202 = arith.index_cast %scan3A_40 : i32 to index
        %get3A_203 = arith.constant 112 : index
        %get3A_204 = tpu.vector_load %arg12[%get3A_202, %get3A_203] {strides = array<i32>} : memref<200x128xf32, #tpu.memory_space<vmem>>, vector<1x16xf32>,
        %get3A_205 = vector.shape_cast %get3A_204 : vector<1x16xf32> to vector<16xf32>
        %add3A_206 = arith.addf %add3A_201, %get3A_205 : vector<16xf32>
        %max3A_207 = arith.constant 0.000000e+00 : f32
        %max3A_208 = vector.broadcast %max3A_207 : f32 to vector<16xf32>
        %max3A_209 = arith.maximumf %add3A_206, %max3A_208 : vector<16xf32>
        %swap3A_210 = arith.index_cast %scan3A_40 : i32 to index
        %swap3A_211 = arith.constant 112 : index
        %swap3A_212 = tpu.vector_load %arg10[%swap3A_210, %swap3A_211] {strides = array<i32>} : memref<200x128xf32, #tpu.memory_space<vmem>>, vector<1x16xf32>,
        %swap3A_213 = vector.shape_cast %swap3A_212 : vector<1x16xf32> to vector<16xf32>
        %swap3A_214 = vector.shape_cast %max3A_209 : vector<16xf32> to vector<1x16xf32>
        tpu.vector_store %arg10[%swap3A_210, %swap3A_211], %swap3A_214 {strides = array<i32>} : memref<200x128xf32, #tpu.memory_space<vmem>>, vector<1x16xf32>,
        %scan3A_215 = arith.constant 0 : i32
        scf.yield %scan3A_215 : i32
      }
      %scan3A_38 = arith.constant 200 : i32
      "tpu.region"() ({
        %run_scoped3A = tpu.sem_alloc : memref<!tpu.dma_semaphore, #tpu.memory_space<semaphore_mem>>
        %dma_start3A_40 = arith.constant 0 : i32
        %dma_start3A_41 = tpu.memref_slice %arg7[%add3A_13, %dma_start3A_40] : memref<320000x128xf32, #tpu.memory_space<hbm>> -> memref<200x128xf32, #tpu.memory_space<hbm>>
        %dma_start3A_42 = arith.constant 0 : i32
        %dma_start3A_43 = tpu.memref_slice %arg7[%add3A_13, %dma_start3A_42] : memref<320000x128xf32, #tpu.memory_space<hbm>> -> memref<200x128xf32, #tpu.memory_space<hbm>>
        tpu.enqueue_dma source(%arg10 : memref<200x128xf32, #tpu.memory_space<vmem>>) target(%dma_start3A_43 : memref<200x128xf32, #tpu.memory_space<hbm>>) target_semaphore(%run_scoped3A : memref<!tpu.dma_semaphore, #tpu.memory_space<semaphore_mem>>)
        %dma_wait3A_44 = arith.constant 0 : i32
        %dma_wait3A_45 = tpu.memref_slice %arg7[%add3A_13, %dma_wait3A_44] : memref<320000x128xf32, #tpu.memory_space<hbm>> -> memref<200x128xf32, #tpu.memory_space<hbm>>
        %dma_wait3A_46 = arith.constant 0 : i32
        %dma_wait3A_47 = tpu.memref_slice %arg7[%add3A_13, %dma_wait3A_46] : memref<320000x128xf32, #tpu.memory_space<hbm>> -> memref<200x128xf32, #tpu.memory_space<hbm>>
        tpu.wait_dma2 semaphore(%run_scoped3A : memref<!tpu.dma_semaphore, #tpu.memory_space<semaphore_mem>>) src(%arg10 : memref<200x128xf32, #tpu.memory_space<vmem>>) dst(%dma_wait3A_47 : memref<200x128xf32, #tpu.memory_space<hbm>>)
        tpu.yield
      }) : () -> ()
      %scan3A_39 = arith.constant 0 : i32
      scf.yield %scan3A_39 : i32
    }
    %scan3A_8 = arith.constant 50 : i32
    return
  }
}

#map = affine_map<(d0, d1) -> (0, 0)>
#map1 = affine_map<(d0, d1) -> (0)>
module attributes {stable_mosaic.version = 14 : i64} {
  func.func @edge_kernel(%arg0: i32, %arg1: i32, %arg2: memref<10000x128xf32, #tpu.memory_space<hbm>>, %arg3: memref<10000x128xf32, #tpu.memory_space<hbm>>, %arg4: memref<320000x128xf32, #tpu.memory_space<hbm>>, %arg5: memref<320000xi32, #tpu.memory_space<hbm>>, %arg6: memref<320000xi32, #tpu.memory_space<hbm>>, %arg7: memref<320000x128xf32, #tpu.memory_space<hbm>>, %arg8: memref<200xi32, #tpu.memory_space<vmem>>, %arg9: memref<200xi32, #tpu.memory_space<vmem>>, %arg10: memref<200x128xf32, #tpu.memory_space<vmem>>, %arg11: memref<200x128xf32, #tpu.memory_space<vmem>>, %arg12: memref<200x128xf32, #tpu.memory_space<vmem>>, %arg13: memref<!tpu.dma_semaphore, #tpu.memory_space<semaphore_mem>>, %arg14: memref<!tpu.dma_semaphore, #tpu.memory_space<semaphore_mem>>, %arg15: memref<!tpu.dma_semaphore, #tpu.memory_space<semaphore_mem>>) attributes {dimension_semantics = [#tpu.dimension_semantics<core_parallel>, #tpu.dimension_semantics<subcore_parallel>], iteration_bounds = array<i64: 2, 16>, scalar_prefetch = 0 : i64, scratch_operands = 8 : i64, tpu.core_type = #tpu.core_type<sc_vector_subcore>, window_params = [{transform_indices = #map}, {transform_indices = #map}, {transform_indices = #map}, {transform_indices = #map1}, {transform_indices = #map1}, {transform_indices = #map}]} {
    %mul3A = arith.constant 16 : i32
    %mul3A_0 = arith.muli %arg0, %mul3A : i32
    %add3A = arith.addi %mul3A_0, %arg1 : i32
    %mul3A_1 = arith.constant 10000 : i32
    %mul3A_2 = arith.muli %add3A, %mul3A_1 : i32
    %scan3A = arith.constant 0 : i32
    %scan3A_3 = arith.constant 0 : i32
    %scan3A_4 = arith.constant 50 : i32
    %scan3A_5 = arith.addi %scan3A_3, %scan3A_4 : i32
    %scan3A_6 = arith.constant 1 : i32
    %scan3A_7 = scf.for %scan3A_9 = %scan3A_3 to %scan3A_5 step %scan3A_6 iter_args(%scan3A_10 = %scan3A) -> (i32)  : i32 {
      %mul3A_11 = arith.constant 200 : i32
      %mul3A_12 = arith.muli %scan3A_9, %mul3A_11 : i32
      %add3A_13 = arith.addi %mul3A_2, %mul3A_12 : i32
      "tpu.region"() ({
        %run_scoped3A = tpu.sem_alloc : memref<!tpu.dma_semaphore, #tpu.memory_space<semaphore_mem>>
        %dma_start3A_40 = tpu.memref_slice %arg5[%add3A_13] : memref<320000xi32, #tpu.memory_space<hbm>> -> memref<200xi32, #tpu.memory_space<hbm>>
        %dma_start3A_41 = tpu.memref_slice %arg5[%add3A_13] : memref<320000xi32, #tpu.memory_space<hbm>> -> memref<200xi32, #tpu.memory_space<hbm>>
        tpu.enqueue_dma source(%dma_start3A_41 : memref<200xi32, #tpu.memory_space<hbm>>) target(%arg8 : memref<200xi32, #tpu.memory_space<vmem>>) target_semaphore(%run_scoped3A : memref<!tpu.dma_semaphore, #tpu.memory_space<semaphore_mem>>)
        %dma_wait3A_42 = tpu.memref_slice %arg5[%add3A_13] : memref<320000xi32, #tpu.memory_space<hbm>> -> memref<200xi32, #tpu.memory_space<hbm>>
        %dma_wait3A_43 = tpu.memref_slice %arg5[%add3A_13] : memref<320000xi32, #tpu.memory_space<hbm>> -> memref<200xi32, #tpu.memory_space<hbm>>
        tpu.wait_dma2 semaphore(%run_scoped3A : memref<!tpu.dma_semaphore, #tpu.memory_space<semaphore_mem>>) src(%dma_wait3A_43 : memref<200xi32, #tpu.memory_space<hbm>>) dst(%arg8 : memref<200xi32, #tpu.memory_space<vmem>>)
        tpu.yield
      }) : () -> ()
      "tpu.region"() ({
        %run_scoped3A = tpu.sem_alloc : memref<!tpu.dma_semaphore, #tpu.memory_space<semaphore_mem>>
        %dma_start3A_40 = tpu.memref_slice %arg6[%add3A_13] : memref<320000xi32, #tpu.memory_space<hbm>> -> memref<200xi32, #tpu.memory_space<hbm>>
        %dma_start3A_41 = tpu.memref_slice %arg6[%add3A_13] : memref<320000xi32, #tpu.memory_space<hbm>> -> memref<200xi32, #tpu.memory_space<hbm>>
        tpu.enqueue_dma source(%dma_start3A_41 : memref<200xi32, #tpu.memory_space<hbm>>) target(%arg9 : memref<200xi32, #tpu.memory_space<vmem>>) target_semaphore(%run_scoped3A : memref<!tpu.dma_semaphore, #tpu.memory_space<semaphore_mem>>)
        %dma_wait3A_42 = tpu.memref_slice %arg6[%add3A_13] : memref<320000xi32, #tpu.memory_space<hbm>> -> memref<200xi32, #tpu.memory_space<hbm>>
        %dma_wait3A_43 = tpu.memref_slice %arg6[%add3A_13] : memref<320000xi32, #tpu.memory_space<hbm>> -> memref<200xi32, #tpu.memory_space<hbm>>
        tpu.wait_dma2 semaphore(%run_scoped3A : memref<!tpu.dma_semaphore, #tpu.memory_space<semaphore_mem>>) src(%dma_wait3A_43 : memref<200xi32, #tpu.memory_space<hbm>>) dst(%arg9 : memref<200xi32, #tpu.memory_space<vmem>>)
        tpu.yield
      }) : () -> ()
      %dma_start3A = arith.constant 0 : i32
      %dma_start3A_14 = arith.constant 0 : i32
      %dma_start3A_15 = tpu.memref_slice %arg2[%dma_start3A, %dma_start3A_14] : memref<10000x128xf32, #tpu.memory_space<hbm>> -> memref<10000x128xf32, #tpu.memory_space<hbm>>
      tpu.enqueue_indirect_dma source(%dma_start3A_15 : memref<10000x128xf32, #tpu.memory_space<hbm>>) target(%arg10 : memref<200x128xf32, #tpu.memory_space<vmem>>) offsets(%arg8 : memref<200xi32, #tpu.memory_space<vmem>>) semaphore(%arg13 : memref<!tpu.dma_semaphore, #tpu.memory_space<semaphore_mem>>)
      %dma_start3A_16 = arith.constant 0 : i32
      %dma_start3A_17 = arith.constant 0 : i32
      %dma_start3A_18 = tpu.memref_slice %arg3[%dma_start3A_16, %dma_start3A_17] : memref<10000x128xf32, #tpu.memory_space<hbm>> -> memref<10000x128xf32, #tpu.memory_space<hbm>>
      tpu.enqueue_indirect_dma source(%dma_start3A_18 : memref<10000x128xf32, #tpu.memory_space<hbm>>) target(%arg11 : memref<200x128xf32, #tpu.memory_space<vmem>>) offsets(%arg9 : memref<200xi32, #tpu.memory_space<vmem>>) semaphore(%arg14 : memref<!tpu.dma_semaphore, #tpu.memory_space<semaphore_mem>>)
      %dma_start3A_19 = arith.constant 0 : i32
      %dma_start3A_20 = tpu.memref_slice %arg4[%add3A_13, %dma_start3A_19] : memref<320000x128xf32, #tpu.memory_space<hbm>> -> memref<200x128xf32, #tpu.memory_space<hbm>>
      %dma_start3A_21 = arith.constant 0 : i32
      %dma_start3A_22 = tpu.memref_slice %arg4[%add3A_13, %dma_start3A_21] : memref<320000x128xf32, #tpu.memory_space<hbm>> -> memref<200x128xf32, #tpu.memory_space<hbm>>
      tpu.enqueue_dma source(%dma_start3A_22 : memref<200x128xf32, #tpu.memory_space<hbm>>) target(%arg12 : memref<200x128xf32, #tpu.memory_space<vmem>>) target_semaphore(%arg15 : memref<!tpu.dma_semaphore, #tpu.memory_space<semaphore_mem>>)
      %dma_wait3A = arith.constant 0 : i32
      %dma_wait3A_23 = arith.constant 0 : i32
      %dma_wait3A_24 = tpu.memref_slice %arg2[%dma_wait3A, %dma_wait3A_23] : memref<10000x128xf32, #tpu.memory_space<hbm>> -> memref<10000x128xf32, #tpu.memory_space<hbm>>
      tpu.wait_indirect_dma semaphore(%arg13 : memref<!tpu.dma_semaphore, #tpu.memory_space<semaphore_mem>>) src(%dma_wait3A_24 : memref<10000x128xf32, #tpu.memory_space<hbm>>) dst(%arg10 : memref<200x128xf32, #tpu.memory_space<vmem>>)
      %dma_wait3A_25 = arith.constant 0 : i32
      %dma_wait3A_26 = arith.constant 0 : i32
      %dma_wait3A_27 = tpu.memref_slice %arg3[%dma_wait3A_25, %dma_wait3A_26] : memref<10000x128xf32, #tpu.memory_space<hbm>> -> memref<10000x128xf32, #tpu.memory_space<hbm>>
      tpu.wait_indirect_dma semaphore(%arg14 : memref<!tpu.dma_semaphore, #tpu.memory_space<semaphore_mem>>) src(%dma_wait3A_27 : memref<10000x128xf32, #tpu.memory_space<hbm>>) dst(%arg11 : memref<200x128xf32, #tpu.memory_space<vmem>>)
      %dma_wait3A_28 = arith.constant 0 : i32
      %dma_wait3A_29 = tpu.memref_slice %arg4[%add3A_13, %dma_wait3A_28] : memref<320000x128xf32, #tpu.memory_space<hbm>> -> memref<200x128xf32, #tpu.memory_space<hbm>>
      %dma_wait3A_30 = arith.constant 0 : i32
      %dma_wait3A_31 = tpu.memref_slice %arg4[%add3A_13, %dma_wait3A_30] : memref<320000x128xf32, #tpu.memory_space<hbm>> -> memref<200x128xf32, #tpu.memory_space<hbm>>
      tpu.wait_dma2 semaphore(%arg15 : memref<!tpu.dma_semaphore, #tpu.memory_space<semaphore_mem>>) src(%dma_wait3A_31 : memref<200x128xf32, #tpu.memory_space<hbm>>) dst(%arg12 : memref<200x128xf32, #tpu.memory_space<vmem>>)
      %scan3A_32 = arith.constant 0 : i32
      %scan3A_33 = arith.constant 0 : i32
      %scan3A_34 = arith.constant 200 : i32
      %scan3A_35 = arith.addi %scan3A_33, %scan3A_34 : i32
      %scan3A_36 = arith.constant 1 : i32
      %scan3A_37 = scf.for %scan3A_40 = %scan3A_33 to %scan3A_35 step %scan3A_36 iter_args(%scan3A_41 = %scan3A_32) -> (i32)  : i32 {
        %get3A = arith.index_cast %scan3A_40 : i32 to index
        %get3A_42 = arith.constant 0 : index
        %get3A_43 = tpu.vector_load %arg10[%get3A, %get3A_42] {strides = array<i32>} : memref<200x128xf32, #tpu.memory_space<vmem>>, vector<1x16xf32>,
        %get3A_44 = vector.shape_cast %get3A_43 : vector<1x16xf32> to vector<16xf32>
        %get3A_45 = arith.index_cast %scan3A_40 : i32 to index
        %get3A_46 = arith.constant 0 : index
        %get3A_47 = tpu.vector_load %arg11[%get3A_45, %get3A_46] {strides = array<i32>} : memref<200x128xf32, #tpu.memory_space<vmem>>, vector<1x16xf32>,
        %get3A_48 = vector.shape_cast %get3A_47 : vector<1x16xf32> to vector<16xf32>
        %add3A_49 = arith.addf %get3A_44, %get3A_48 : vector<16xf32>
        %get3A_50 = arith.index_cast %scan3A_40 : i32 to index
        %get3A_51 = arith.constant 0 : index
        %get3A_52 = tpu.vector_load %arg12[%get3A_50, %get3A_51] {strides = array<i32>} : memref<200x128xf32, #tpu.memory_space<vmem>>, vector<1x16xf32>,
        %get3A_53 = vector.shape_cast %get3A_52 : vector<1x16xf32> to vector<16xf32>
        %add3A_54 = arith.addf %add3A_49, %get3A_53 : vector<16xf32>
        %max3A = arith.constant 0.000000e+00 : f32
        %max3A_55 = vector.broadcast %max3A : f32 to vector<16xf32>
        %max3A_56 = arith.maximumf %add3A_54, %max3A_55 : vector<16xf32>
        %swap3A = arith.index_cast %scan3A_40 : i32 to index
        %swap3A_57 = arith.constant 0 : index
        %swap3A_58 = tpu.vector_load %arg10[%swap3A, %swap3A_57] {strides = array<i32>} : memref<200x128xf32, #tpu.memory_space<vmem>>, vector<1x16xf32>,
        %swap3A_59 = vector.shape_cast %swap3A_58 : vector<1x16xf32> to vector<16xf32>
        %swap3A_60 = vector.shape_cast %max3A_56 : vector<16xf32> to vector<1x16xf32>
        tpu.vector_store %arg10[%swap3A, %swap3A_57], %swap3A_60 {strides = array<i32>} : memref<200x128xf32, #tpu.memory_space<vmem>>, vector<1x16xf32>,
        %get3A_61 = arith.index_cast %scan3A_40 : i32 to index
        %get3A_62 = arith.constant 16 : index
        %get3A_63 = tpu.vector_load %arg10[%get3A_61, %get3A_62] {strides = array<i32>} : memref<200x128xf32, #tpu.memory_space<vmem>>, vector<1x16xf32>,
        %get3A_64 = vector.shape_cast %get3A_63 : vector<1x16xf32> to vector<16xf32>
        %get3A_65 = arith.index_cast %scan3A_40 : i32 to index
        %get3A_66 = arith.constant 16 : index
        %get3A_67 = tpu.vector_load %arg11[%get3A_65, %get3A_66] {strides = array<i32>} : memref<200x128xf32, #tpu.memory_space<vmem>>, vector<1x16xf32>,
        %get3A_68 = vector.shape_cast %get3A_67 : vector<1x16xf32> to vector<16xf32>
        %add3A_69 = arith.addf %get3A_64, %get3A_68 : vector<16xf32>
        %get3A_70 = arith.index_cast %scan3A_40 : i32 to index
        %get3A_71 = arith.constant 16 : index
        %get3A_72 = tpu.vector_load %arg12[%get3A_70, %get3A_71] {strides = array<i32>} : memref<200x128xf32, #tpu.memory_space<vmem>>, vector<1x16xf32>,
        %get3A_73 = vector.shape_cast %get3A_72 : vector<1x16xf32> to vector<16xf32>
        %add3A_74 = arith.addf %add3A_69, %get3A_73 : vector<16xf32>
        %max3A_75 = arith.constant 0.000000e+00 : f32
        %max3A_76 = vector.broadcast %max3A_75 : f32 to vector<16xf32>
        %max3A_77 = arith.maximumf %add3A_74, %max3A_76 : vector<16xf32>
        %swap3A_78 = arith.index_cast %scan3A_40 : i32 to index
        %swap3A_79 = arith.constant 16 : index
        %swap3A_80 = tpu.vector_load %arg10[%swap3A_78, %swap3A_79] {strides = array<i32>} : memref<200x128xf32, #tpu.memory_space<vmem>>, vector<1x16xf32>,
        %swap3A_81 = vector.shape_cast %swap3A_80 : vector<1x16xf32> to vector<16xf32>
        %swap3A_82 = vector.shape_cast %max3A_77 : vector<16xf32> to vector<1x16xf32>
        tpu.vector_store %arg10[%swap3A_78, %swap3A_79], %swap3A_82 {strides = array<i32>} : memref<200x128xf32, #tpu.memory_space<vmem>>, vector<1x16xf32>,
        %get3A_83 = arith.index_cast %scan3A_40 : i32 to index
        %get3A_84 = arith.constant 32 : index
        %get3A_85 = tpu.vector_load %arg10[%get3A_83, %get3A_84] {strides = array<i32>} : memref<200x128xf32, #tpu.memory_space<vmem>>, vector<1x16xf32>,
        %get3A_86 = vector.shape_cast %get3A_85 : vector<1x16xf32> to vector<16xf32>
        %get3A_87 = arith.index_cast %scan3A_40 : i32 to index
        %get3A_88 = arith.constant 32 : index
        %get3A_89 = tpu.vector_load %arg11[%get3A_87, %get3A_88] {strides = array<i32>} : memref<200x128xf32, #tpu.memory_space<vmem>>, vector<1x16xf32>,
        %get3A_90 = vector.shape_cast %get3A_89 : vector<1x16xf32> to vector<16xf32>
        %add3A_91 = arith.addf %get3A_86, %get3A_90 : vector<16xf32>
        %get3A_92 = arith.index_cast %scan3A_40 : i32 to index
        %get3A_93 = arith.constant 32 : index
        %get3A_94 = tpu.vector_load %arg12[%get3A_92, %get3A_93] {strides = array<i32>} : memref<200x128xf32, #tpu.memory_space<vmem>>, vector<1x16xf32>,
        %get3A_95 = vector.shape_cast %get3A_94 : vector<1x16xf32> to vector<16xf32>
        %add3A_96 = arith.addf %add3A_91, %get3A_95 : vector<16xf32>
        %max3A_97 = arith.constant 0.000000e+00 : f32
        %max3A_98 = vector.broadcast %max3A_97 : f32 to vector<16xf32>
        %max3A_99 = arith.maximumf %add3A_96, %max3A_98 : vector<16xf32>
        %swap3A_100 = arith.index_cast %scan3A_40 : i32 to index
        %swap3A_101 = arith.constant 32 : index
        %swap3A_102 = tpu.vector_load %arg10[%swap3A_100, %swap3A_101] {strides = array<i32>} : memref<200x128xf32, #tpu.memory_space<vmem>>, vector<1x16xf32>,
        %swap3A_103 = vector.shape_cast %swap3A_102 : vector<1x16xf32> to vector<16xf32>
        %swap3A_104 = vector.shape_cast %max3A_99 : vector<16xf32> to vector<1x16xf32>
        tpu.vector_store %arg10[%swap3A_100, %swap3A_101], %swap3A_104 {strides = array<i32>} : memref<200x128xf32, #tpu.memory_space<vmem>>, vector<1x16xf32>,
        %get3A_105 = arith.index_cast %scan3A_40 : i32 to index
        %get3A_106 = arith.constant 48 : index
        %get3A_107 = tpu.vector_load %arg10[%get3A_105, %get3A_106] {strides = array<i32>} : memref<200x128xf32, #tpu.memory_space<vmem>>, vector<1x16xf32>,
        %get3A_108 = vector.shape_cast %get3A_107 : vector<1x16xf32> to vector<16xf32>
        %get3A_109 = arith.index_cast %scan3A_40 : i32 to index
        %get3A_110 = arith.constant 48 : index
        %get3A_111 = tpu.vector_load %arg11[%get3A_109, %get3A_110] {strides = array<i32>} : memref<200x128xf32, #tpu.memory_space<vmem>>, vector<1x16xf32>,
        %get3A_112 = vector.shape_cast %get3A_111 : vector<1x16xf32> to vector<16xf32>
        %add3A_113 = arith.addf %get3A_108, %get3A_112 : vector<16xf32>
        %get3A_114 = arith.index_cast %scan3A_40 : i32 to index
        %get3A_115 = arith.constant 48 : index
        %get3A_116 = tpu.vector_load %arg12[%get3A_114, %get3A_115] {strides = array<i32>} : memref<200x128xf32, #tpu.memory_space<vmem>>, vector<1x16xf32>,
        %get3A_117 = vector.shape_cast %get3A_116 : vector<1x16xf32> to vector<16xf32>
        %add3A_118 = arith.addf %add3A_113, %get3A_117 : vector<16xf32>
        %max3A_119 = arith.constant 0.000000e+00 : f32
        %max3A_120 = vector.broadcast %max3A_119 : f32 to vector<16xf32>
        %max3A_121 = arith.maximumf %add3A_118, %max3A_120 : vector<16xf32>
        %swap3A_122 = arith.index_cast %scan3A_40 : i32 to index
        %swap3A_123 = arith.constant 48 : index
        %swap3A_124 = tpu.vector_load %arg10[%swap3A_122, %swap3A_123] {strides = array<i32>} : memref<200x128xf32, #tpu.memory_space<vmem>>, vector<1x16xf32>,
        %swap3A_125 = vector.shape_cast %swap3A_124 : vector<1x16xf32> to vector<16xf32>
        %swap3A_126 = vector.shape_cast %max3A_121 : vector<16xf32> to vector<1x16xf32>
        tpu.vector_store %arg10[%swap3A_122, %swap3A_123], %swap3A_126 {strides = array<i32>} : memref<200x128xf32, #tpu.memory_space<vmem>>, vector<1x16xf32>,
        %get3A_127 = arith.index_cast %scan3A_40 : i32 to index
        %get3A_128 = arith.constant 64 : index
        %get3A_129 = tpu.vector_load %arg10[%get3A_127, %get3A_128] {strides = array<i32>} : memref<200x128xf32, #tpu.memory_space<vmem>>, vector<1x16xf32>,
        %get3A_130 = vector.shape_cast %get3A_129 : vector<1x16xf32> to vector<16xf32>
        %get3A_131 = arith.index_cast %scan3A_40 : i32 to index
        %get3A_132 = arith.constant 64 : index
        %get3A_133 = tpu.vector_load %arg11[%get3A_131, %get3A_132] {strides = array<i32>} : memref<200x128xf32, #tpu.memory_space<vmem>>, vector<1x16xf32>,
        %get3A_134 = vector.shape_cast %get3A_133 : vector<1x16xf32> to vector<16xf32>
        %add3A_135 = arith.addf %get3A_130, %get3A_134 : vector<16xf32>
        %get3A_136 = arith.index_cast %scan3A_40 : i32 to index
        %get3A_137 = arith.constant 64 : index
        %get3A_138 = tpu.vector_load %arg12[%get3A_136, %get3A_137] {strides = array<i32>} : memref<200x128xf32, #tpu.memory_space<vmem>>, vector<1x16xf32>,
        %get3A_139 = vector.shape_cast %get3A_138 : vector<1x16xf32> to vector<16xf32>
        %add3A_140 = arith.addf %add3A_135, %get3A_139 : vector<16xf32>
        %max3A_141 = arith.constant 0.000000e+00 : f32
        %max3A_142 = vector.broadcast %max3A_141 : f32 to vector<16xf32>
        %max3A_143 = arith.maximumf %add3A_140, %max3A_142 : vector<16xf32>
        %swap3A_144 = arith.index_cast %scan3A_40 : i32 to index
        %swap3A_145 = arith.constant 64 : index
        %swap3A_146 = tpu.vector_load %arg10[%swap3A_144, %swap3A_145] {strides = array<i32>} : memref<200x128xf32, #tpu.memory_space<vmem>>, vector<1x16xf32>,
        %swap3A_147 = vector.shape_cast %swap3A_146 : vector<1x16xf32> to vector<16xf32>
        %swap3A_148 = vector.shape_cast %max3A_143 : vector<16xf32> to vector<1x16xf32>
        tpu.vector_store %arg10[%swap3A_144, %swap3A_145], %swap3A_148 {strides = array<i32>} : memref<200x128xf32, #tpu.memory_space<vmem>>, vector<1x16xf32>,
        %get3A_149 = arith.index_cast %scan3A_40 : i32 to index
        %get3A_150 = arith.constant 80 : index
        %get3A_151 = tpu.vector_load %arg10[%get3A_149, %get3A_150] {strides = array<i32>} : memref<200x128xf32, #tpu.memory_space<vmem>>, vector<1x16xf32>,
        %get3A_152 = vector.shape_cast %get3A_151 : vector<1x16xf32> to vector<16xf32>
        %get3A_153 = arith.index_cast %scan3A_40 : i32 to index
        %get3A_154 = arith.constant 80 : index
        %get3A_155 = tpu.vector_load %arg11[%get3A_153, %get3A_154] {strides = array<i32>} : memref<200x128xf32, #tpu.memory_space<vmem>>, vector<1x16xf32>,
        %get3A_156 = vector.shape_cast %get3A_155 : vector<1x16xf32> to vector<16xf32>
        %add3A_157 = arith.addf %get3A_152, %get3A_156 : vector<16xf32>
        %get3A_158 = arith.index_cast %scan3A_40 : i32 to index
        %get3A_159 = arith.constant 80 : index
        %get3A_160 = tpu.vector_load %arg12[%get3A_158, %get3A_159] {strides = array<i32>} : memref<200x128xf32, #tpu.memory_space<vmem>>, vector<1x16xf32>,
        %get3A_161 = vector.shape_cast %get3A_160 : vector<1x16xf32> to vector<16xf32>
        %add3A_162 = arith.addf %add3A_157, %get3A_161 : vector<16xf32>
        %max3A_163 = arith.constant 0.000000e+00 : f32
        %max3A_164 = vector.broadcast %max3A_163 : f32 to vector<16xf32>
        %max3A_165 = arith.maximumf %add3A_162, %max3A_164 : vector<16xf32>
        %swap3A_166 = arith.index_cast %scan3A_40 : i32 to index
        %swap3A_167 = arith.constant 80 : index
        %swap3A_168 = tpu.vector_load %arg10[%swap3A_166, %swap3A_167] {strides = array<i32>} : memref<200x128xf32, #tpu.memory_space<vmem>>, vector<1x16xf32>,
        %swap3A_169 = vector.shape_cast %swap3A_168 : vector<1x16xf32> to vector<16xf32>
        %swap3A_170 = vector.shape_cast %max3A_165 : vector<16xf32> to vector<1x16xf32>
        tpu.vector_store %arg10[%swap3A_166, %swap3A_167], %swap3A_170 {strides = array<i32>} : memref<200x128xf32, #tpu.memory_space<vmem>>, vector<1x16xf32>,
        %get3A_171 = arith.index_cast %scan3A_40 : i32 to index
        %get3A_172 = arith.constant 96 : index
        %get3A_173 = tpu.vector_load %arg10[%get3A_171, %get3A_172] {strides = array<i32>} : memref<200x128xf32, #tpu.memory_space<vmem>>, vector<1x16xf32>,
        %get3A_174 = vector.shape_cast %get3A_173 : vector<1x16xf32> to vector<16xf32>
        %get3A_175 = arith.index_cast %scan3A_40 : i32 to index
        %get3A_176 = arith.constant 96 : index
        %get3A_177 = tpu.vector_load %arg11[%get3A_175, %get3A_176] {strides = array<i32>} : memref<200x128xf32, #tpu.memory_space<vmem>>, vector<1x16xf32>,
        %get3A_178 = vector.shape_cast %get3A_177 : vector<1x16xf32> to vector<16xf32>
        %add3A_179 = arith.addf %get3A_174, %get3A_178 : vector<16xf32>
        %get3A_180 = arith.index_cast %scan3A_40 : i32 to index
        %get3A_181 = arith.constant 96 : index
        %get3A_182 = tpu.vector_load %arg12[%get3A_180, %get3A_181] {strides = array<i32>} : memref<200x128xf32, #tpu.memory_space<vmem>>, vector<1x16xf32>,
        %get3A_183 = vector.shape_cast %get3A_182 : vector<1x16xf32> to vector<16xf32>
        %add3A_184 = arith.addf %add3A_179, %get3A_183 : vector<16xf32>
        %max3A_185 = arith.constant 0.000000e+00 : f32
        %max3A_186 = vector.broadcast %max3A_185 : f32 to vector<16xf32>
        %max3A_187 = arith.maximumf %add3A_184, %max3A_186 : vector<16xf32>
        %swap3A_188 = arith.index_cast %scan3A_40 : i32 to index
        %swap3A_189 = arith.constant 96 : index
        %swap3A_190 = tpu.vector_load %arg10[%swap3A_188, %swap3A_189] {strides = array<i32>} : memref<200x128xf32, #tpu.memory_space<vmem>>, vector<1x16xf32>,
        %swap3A_191 = vector.shape_cast %swap3A_190 : vector<1x16xf32> to vector<16xf32>
        %swap3A_192 = vector.shape_cast %max3A_187 : vector<16xf32> to vector<1x16xf32>
        tpu.vector_store %arg10[%swap3A_188, %swap3A_189], %swap3A_192 {strides = array<i32>} : memref<200x128xf32, #tpu.memory_space<vmem>>, vector<1x16xf32>,
        %get3A_193 = arith.index_cast %scan3A_40 : i32 to index
        %get3A_194 = arith.constant 112 : index
        %get3A_195 = tpu.vector_load %arg10[%get3A_193, %get3A_194] {strides = array<i32>} : memref<200x128xf32, #tpu.memory_space<vmem>>, vector<1x16xf32>,
        %get3A_196 = vector.shape_cast %get3A_195 : vector<1x16xf32> to vector<16xf32>
        %get3A_197 = arith.index_cast %scan3A_40 : i32 to index
        %get3A_198 = arith.constant 112 : index
        %get3A_199 = tpu.vector_load %arg11[%get3A_197, %get3A_198] {strides = array<i32>} : memref<200x128xf32, #tpu.memory_space<vmem>>, vector<1x16xf32>,
        %get3A_200 = vector.shape_cast %get3A_199 : vector<1x16xf32> to vector<16xf32>
        %add3A_201 = arith.addf %get3A_196, %get3A_200 : vector<16xf32>
        %get3A_202 = arith.index_cast %scan3A_40 : i32 to index
        %get3A_203 = arith.constant 112 : index
        %get3A_204 = tpu.vector_load %arg12[%get3A_202, %get3A_203] {strides = array<i32>} : memref<200x128xf32, #tpu.memory_space<vmem>>, vector<1x16xf32>,
        %get3A_205 = vector.shape_cast %get3A_204 : vector<1x16xf32> to vector<16xf32>
        %add3A_206 = arith.addf %add3A_201, %get3A_205 : vector<16xf32>
        %max3A_207 = arith.constant 0.000000e+00 : f32
        %max3A_208 = vector.broadcast %max3A_207 : f32 to vector<16xf32>
        %max3A_209 = arith.maximumf %add3A_206, %max3A_208 : vector<16xf32>
        %swap3A_210 = arith.index_cast %scan3A_40 : i32 to index
        %swap3A_211 = arith.constant 112 : index
        %swap3A_212 = tpu.vector_load %arg10[%swap3A_210, %swap3A_211] {strides = array<i32>} : memref<200x128xf32, #tpu.memory_space<vmem>>, vector<1x16xf32>,
        %swap3A_213 = vector.shape_cast %swap3A_212 : vector<1x16xf32> to vector<16xf32>
        %swap3A_214 = vector.shape_cast %max3A_209 : vector<16xf32> to vector<1x16xf32>
        tpu.vector_store %arg10[%swap3A_210, %swap3A_211], %swap3A_214 {strides = array<i32>} : memref<200x128xf32, #tpu.memory_space<vmem>>, vector<1x16xf32>,
        %scan3A_215 = arith.constant 0 : i32
        scf.yield %scan3A_215 : i32
      }
      %scan3A_38 = arith.constant 200 : i32
      "tpu.region"() ({
        %run_scoped3A = tpu.sem_alloc : memref<!tpu.dma_semaphore, #tpu.memory_space<semaphore_mem>>
        %dma_start3A_40 = arith.constant 0 : i32
        %dma_start3A_41 = tpu.memref_slice %arg7[%add3A_13, %dma_start3A_40] : memref<320000x128xf32, #tpu.memory_space<hbm>> -> memref<200x128xf32, #tpu.memory_space<hbm>>
        %dma_start3A_42 = arith.constant 0 : i32
        %dma_start3A_43 = tpu.memref_slice %arg7[%add3A_13, %dma_start3A_42] : memref<320000x128xf32, #tpu.memory_space<hbm>> -> memref<200x128xf32, #tpu.memory_space<hbm>>
        tpu.enqueue_dma source(%arg10 : memref<200x128xf32, #tpu.memory_space<vmem>>) target(%dma_start3A_43 : memref<200x128xf32, #tpu.memory_space<hbm>>) target_semaphore(%run_scoped3A : memref<!tpu.dma_semaphore, #tpu.memory_space<semaphore_mem>>)
        %dma_wait3A_44 = arith.constant 0 : i32
        %dma_wait3A_45 = tpu.memref_slice %arg7[%add3A_13, %dma_wait3A_44] : memref<320000x128xf32, #tpu.memory_space<hbm>> -> memref<200x128xf32, #tpu.memory_space<hbm>>
        %dma_wait3A_46 = arith.constant 0 : i32
        %dma_wait3A_47 = tpu.memref_slice %arg7[%add3A_13, %dma_wait3A_46] : memref<320000x128xf32, #tpu.memory_space<hbm>> -> memref<200x128xf32, #tpu.memory_space<hbm>>
        tpu.wait_dma2 semaphore(%run_scoped3A : memref<!tpu.dma_semaphore, #tpu.memory_space<semaphore_mem>>) src(%arg10 : memref<200x128xf32, #tpu.memory_space<vmem>>) dst(%dma_wait3A_47 : memref<200x128xf32, #tpu.memory_space<hbm>>)
        tpu.yield
      }) : () -> ()
      %scan3A_39 = arith.constant 0 : i32
      scf.yield %scan3A_39 : i32
    }
    %scan3A_8 = arith.constant 50 : i32
    return
  }
}

module attributes {stable_mosaic.version = 14 : i64} {
  func.func @_ew_body(%arg0: i32, %arg1: memref<8000x10xf32, #tpu.memory_space<vmem>>, %arg2: memref<10x128xf32, #tpu.memory_space<vmem>>, %arg3: memref<128x384xf32, #tpu.memory_space<vmem>>, %arg4: memref<1x128xf32, #tpu.memory_space<vmem>>, %arg5: memref<1x384xf32, #tpu.memory_space<vmem>>, %arg6: memref<8000x128xf32, #tpu.memory_space<vmem>>, %arg7: memref<8000x128xf32, #tpu.memory_space<vmem>>, %arg8: memref<8000x128xf32, #tpu.memory_space<vmem>>) attributes {dimension_semantics = [#tpu.dimension_semantics<arbitrary>], iteration_bounds = array<i64: 40>, scalar_prefetch = 0 : i64, scratch_operands = 0 : i64, tpu.core_type = #tpu.core_type<tc>, window_params = [{transform_indices = @transform_0, window_bounds = array<i64: 8000, 10>}, {pipeline_mode = #tpu.pipeline_mode<synchronous>, transform_indices = @transform_1, window_bounds = array<i64: 10, 128>}, {pipeline_mode = #tpu.pipeline_mode<synchronous>, transform_indices = @transform_2, window_bounds = array<i64: 128, 384>}, {pipeline_mode = #tpu.pipeline_mode<synchronous>, transform_indices = @transform_3, window_bounds = array<i64: 1, 128>}, {pipeline_mode = #tpu.pipeline_mode<synchronous>, transform_indices = @transform_4, window_bounds = array<i64: 1, 384>}, {transform_indices = @transform_5, window_bounds = array<i64: 8000, 128>}, {transform_indices = @transform_6, window_bounds = array<i64: 8000, 128>}, {transform_indices = @transform_7, window_bounds = array<i64: 8000, 128>}]} {
    %get3A = arith.constant 0 : index
    %get3A_0 = arith.constant 0 : index
    %get3A_1 = vector.load %arg2[%get3A, %get3A_0] : memref<10x128xf32, #tpu.memory_space<vmem>>, vector<10x128xf32>
    %get3A_2 = arith.constant 0 : index
    %get3A_3 = arith.constant 0 : index
    %get3A_4 = vector.load %arg3[%get3A_2, %get3A_3] : memref<128x384xf32, #tpu.memory_space<vmem>>, vector<128x384xf32>
    %dot_general3A = arith.constant dense<0.000000e+00> : vector<10x384xf32>
    %dot_general3A_5 = tpu.matmul %get3A_1, %get3A_4, %dot_general3A {dimension_numbers = #tpu.dot_dimension_numbers<[1], [0], [0], [1], [0, 0, 1, 1], [], []>, transpose_lhs_hint = false} : vector<10x128xf32>, vector<128x384xf32>, vector<10x384xf32> -> vector<10x384xf32>
    %get3A_6 = arith.constant 0 : index
    %get3A_7 = arith.constant 0 : index
    %get3A_8 = vector.load %arg4[%get3A_6, %get3A_7] : memref<1x128xf32, #tpu.memory_space<vmem>>, vector<1x128xf32>
    %get3A_9 = arith.constant 0 : index
    %get3A_10 = arith.constant 0 : index
    %get3A_11 = vector.load %arg3[%get3A_9, %get3A_10] : memref<128x384xf32, #tpu.memory_space<vmem>>, vector<128x384xf32>
    %dot_general3A_12 = arith.constant dense<0.000000e+00> : vector<1x384xf32>
    %dot_general3A_13 = tpu.matmul %get3A_8, %get3A_11, %dot_general3A_12 {dimension_numbers = #tpu.dot_dimension_numbers<[1], [0], [0], [1], [0, 0, 1, 1], [], []>, transpose_lhs_hint = false} : vector<1x128xf32>, vector<128x384xf32>, vector<1x384xf32> -> vector<1x384xf32>
    %get3A_14 = arith.constant 0 : index
    %get3A_15 = arith.constant 0 : index
    %get3A_16 = vector.load %arg5[%get3A_14, %get3A_15] : memref<1x384xf32, #tpu.memory_space<vmem>>, vector<1x384xf32>
    %add3A = arith.addf %dot_general3A_13, %get3A_16 : vector<1x384xf32>
    %get3A_17 = arith.constant 0 : index
    %get3A_18 = arith.constant 0 : index
    %get3A_19 = vector.load %arg1[%get3A_17, %get3A_18] : memref<8000x10xf32, #tpu.memory_space<vmem>>, vector<8000x10xf32>
    %dot_general3A_20 = arith.constant dense<0.000000e+00> : vector<8000x384xf32>
    %dot_general3A_21 = tpu.matmul %get3A_19, %dot_general3A_5, %dot_general3A_20 {dimension_numbers = #tpu.dot_dimension_numbers<[1], [0], [0], [1], [0, 0, 1, 1], [], []>, transpose_lhs_hint = false} : vector<8000x10xf32>, vector<10x384xf32>, vector<8000x384xf32> -> vector<8000x384xf32>
    %add3A_22 = vector.broadcast %add3A : vector<1x384xf32> to vector<8000x384xf32>
    %add3A_23 = arith.addf %dot_general3A_21, %add3A_22 : vector<8000x384xf32>
    %slice3A = vector.extract_strided_slice %add3A_23 {offsets = [0, 0], sizes = [8000, 128], strides = [1, 1]} : vector<8000x384xf32> to vector<8000x128xf32>
    %swap3A = arith.constant 0 : index
    %swap3A_24 = arith.constant 0 : index
    %swap3A_25 = vector.load %arg6[%swap3A, %swap3A_24] : memref<8000x128xf32, #tpu.memory_space<vmem>>, vector<8000x128xf32>
    tpu.vector_store %arg6[%swap3A, %swap3A_24], %slice3A {strides = array<i32>} : memref<8000x128xf32, #tpu.memory_space<vmem>>, vector<8000x128xf32>,
    %slice3A_26 = vector.extract_strided_slice %add3A_23 {offsets = [0, 128], sizes = [8000, 128], strides = [1, 1]} : vector<8000x384xf32> to vector<8000x128xf32>
    %swap3A_27 = arith.constant 0 : index
    %swap3A_28 = arith.constant 0 : index
    %swap3A_29 = vector.load %arg7[%swap3A_27, %swap3A_28] : memref<8000x128xf32, #tpu.memory_space<vmem>>, vector<8000x128xf32>
    tpu.vector_store %arg7[%swap3A_27, %swap3A_28], %slice3A_26 {strides = array<i32>} : memref<8000x128xf32, #tpu.memory_space<vmem>>, vector<8000x128xf32>,
    %slice3A_30 = vector.extract_strided_slice %add3A_23 {offsets = [0, 256], sizes = [8000, 128], strides = [1, 1]} : vector<8000x384xf32> to vector<8000x128xf32>
    %swap3A_31 = arith.constant 0 : index
    %swap3A_32 = arith.constant 0 : index
    %swap3A_33 = vector.load %arg8[%swap3A_31, %swap3A_32] : memref<8000x128xf32, #tpu.memory_space<vmem>>, vector<8000x128xf32>
    tpu.vector_store %arg8[%swap3A_31, %swap3A_32], %slice3A_30 {strides = array<i32>} : memref<8000x128xf32, #tpu.memory_space<vmem>>, vector<8000x128xf32>,
    return
  }
  func.func @transform_0(%arg0: i32) -> (i32, i32) {
    %c0_i32 = arith.constant 0 : i32
    %c0_i32_0 = arith.constant 0 : i32
    return %arg0, %c0_i32 : i32, i32
  }
  func.func @transform_1(%arg0: i32) -> (i32, i32) {
    %c0_i32 = arith.constant 0 : i32
    %c0_i32_0 = arith.constant 0 : i32
    %c0_i32_1 = arith.constant 0 : i32
    return %c0_i32, %c0_i32_0 : i32, i32
  }
  func.func @transform_2(%arg0: i32) -> (i32, i32) {
    %c0_i32 = arith.constant 0 : i32
    %c0_i32_0 = arith.constant 0 : i32
    %c0_i32_1 = arith.constant 0 : i32
    return %c0_i32, %c0_i32_0 : i32, i32
  }
  func.func @transform_3(%arg0: i32) -> (i32, i32) {
    %c0_i32 = arith.constant 0 : i32
    %c0_i32_0 = arith.constant 0 : i32
    %c0_i32_1 = arith.constant 0 : i32
    return %c0_i32, %c0_i32_0 : i32, i32
  }
  func.func @transform_4(%arg0: i32) -> (i32, i32) {
    %c0_i32 = arith.constant 0 : i32
    %c0_i32_0 = arith.constant 0 : i32
    %c0_i32_1 = arith.constant 0 : i32
    return %c0_i32, %c0_i32_0 : i32, i32
  }
  func.func @transform_5(%arg0: i32) -> (i32, i32) {
    %c0_i32 = arith.constant 0 : i32
    %c0_i32_0 = arith.constant 0 : i32
    return %arg0, %c0_i32 : i32, i32
  }
  func.func @transform_6(%arg0: i32) -> (i32, i32) {
    %c0_i32 = arith.constant 0 : i32
    %c0_i32_0 = arith.constant 0 : i32
    return %arg0, %c0_i32 : i32, i32
  }
  func.func @transform_7(%arg0: i32) -> (i32, i32) {
    %c0_i32 = arith.constant 0 : i32
    %c0_i32_0 = arith.constant 0 : i32
    return %arg0, %c0_i32 : i32, i32
  }
}

module attributes {stable_mosaic.version = 14 : i64} {
  func.func @_init_body(%arg0: i32, %arg1: memref<2000x128xf32, #tpu.memory_space<vmem>>, %arg2: memref<128x128xf32, #tpu.memory_space<vmem>>, %arg3: memref<1x128xf32, #tpu.memory_space<vmem>>, %arg4: memref<128x128xf32, #tpu.memory_space<vmem>>, %arg5: memref<128x128xf32, #tpu.memory_space<vmem>>, %arg6: memref<2000x128xf32, #tpu.memory_space<vmem>>, %arg7: memref<2000x128xf32, #tpu.memory_space<vmem>>, %arg8: memref<2000x128xf32, #tpu.memory_space<vmem>>) attributes {dimension_semantics = [#tpu.dimension_semantics<arbitrary>], iteration_bounds = array<i64: 5>, scalar_prefetch = 0 : i64, scratch_operands = 0 : i64, tpu.core_type = #tpu.core_type<tc>, window_params = [{transform_indices = @transform_0, window_bounds = array<i64: 2000, 128>}, {pipeline_mode = #tpu.pipeline_mode<synchronous>, transform_indices = @transform_1, window_bounds = array<i64: 128, 128>}, {pipeline_mode = #tpu.pipeline_mode<synchronous>, transform_indices = @transform_2, window_bounds = array<i64: 1, 128>}, {pipeline_mode = #tpu.pipeline_mode<synchronous>, transform_indices = @transform_3, window_bounds = array<i64: 128, 128>}, {pipeline_mode = #tpu.pipeline_mode<synchronous>, transform_indices = @transform_4, window_bounds = array<i64: 128, 128>}, {transform_indices = @transform_5, window_bounds = array<i64: 2000, 128>}, {transform_indices = @transform_6, window_bounds = array<i64: 2000, 128>}, {transform_indices = @transform_7, window_bounds = array<i64: 2000, 128>}]} {
    %get3A = arith.constant 0 : index
    %get3A_0 = arith.constant 0 : index
    %get3A_1 = vector.load %arg1[%get3A, %get3A_0] : memref<2000x128xf32, #tpu.memory_space<vmem>>, vector<2000x128xf32>
    %get3A_2 = arith.constant 0 : index
    %get3A_3 = arith.constant 0 : index
    %get3A_4 = vector.load %arg2[%get3A_2, %get3A_3] : memref<128x128xf32, #tpu.memory_space<vmem>>, vector<128x128xf32>
    %dot_general3A = arith.constant dense<0.000000e+00> : vector<2000x128xf32>
    %dot_general3A_5 = tpu.matmul %get3A_1, %get3A_4, %dot_general3A {dimension_numbers = #tpu.dot_dimension_numbers<[1], [0], [0], [1], [0, 0, 1, 1], [], []>, transpose_lhs_hint = false} : vector<2000x128xf32>, vector<128x128xf32>, vector<2000x128xf32> -> vector<2000x128xf32>
    %get3A_6 = arith.constant 0 : index
    %get3A_7 = arith.constant 0 : index
    %get3A_8 = vector.load %arg3[%get3A_6, %get3A_7] : memref<1x128xf32, #tpu.memory_space<vmem>>, vector<1x128xf32>
    %add3A = vector.broadcast %get3A_8 : vector<1x128xf32> to vector<2000x128xf32>
    %add3A_9 = arith.addf %dot_general3A_5, %add3A : vector<2000x128xf32>
    %swap3A = arith.constant 0 : index
    %swap3A_10 = arith.constant 0 : index
    %swap3A_11 = vector.load %arg6[%swap3A, %swap3A_10] : memref<2000x128xf32, #tpu.memory_space<vmem>>, vector<2000x128xf32>
    tpu.vector_store %arg6[%swap3A, %swap3A_10], %add3A_9 {strides = array<i32>} : memref<2000x128xf32, #tpu.memory_space<vmem>>, vector<2000x128xf32>,
    %get3A_12 = arith.constant 0 : index
    %get3A_13 = arith.constant 0 : index
    %get3A_14 = vector.load %arg4[%get3A_12, %get3A_13] : memref<128x128xf32, #tpu.memory_space<vmem>>, vector<128x128xf32>
    %dot_general3A_15 = arith.constant dense<0.000000e+00> : vector<2000x128xf32>
    %dot_general3A_16 = tpu.matmul %add3A_9, %get3A_14, %dot_general3A_15 {dimension_numbers = #tpu.dot_dimension_numbers<[1], [0], [0], [1], [0, 0, 1, 1], [], []>, transpose_lhs_hint = false} : vector<2000x128xf32>, vector<128x128xf32>, vector<2000x128xf32> -> vector<2000x128xf32>
    %swap3A_17 = arith.constant 0 : index
    %swap3A_18 = arith.constant 0 : index
    %swap3A_19 = vector.load %arg7[%swap3A_17, %swap3A_18] : memref<2000x128xf32, #tpu.memory_space<vmem>>, vector<2000x128xf32>
    tpu.vector_store %arg7[%swap3A_17, %swap3A_18], %dot_general3A_16 {strides = array<i32>} : memref<2000x128xf32, #tpu.memory_space<vmem>>, vector<2000x128xf32>,
    %get3A_20 = arith.constant 0 : index
    %get3A_21 = arith.constant 0 : index
    %get3A_22 = vector.load %arg5[%get3A_20, %get3A_21] : memref<128x128xf32, #tpu.memory_space<vmem>>, vector<128x128xf32>
    %dot_general3A_23 = arith.constant dense<0.000000e+00> : vector<2000x128xf32>
    %dot_general3A_24 = tpu.matmul %add3A_9, %get3A_22, %dot_general3A_23 {dimension_numbers = #tpu.dot_dimension_numbers<[1], [0], [0], [1], [0, 0, 1, 1], [], []>, transpose_lhs_hint = false} : vector<2000x128xf32>, vector<128x128xf32>, vector<2000x128xf32> -> vector<2000x128xf32>
    %swap3A_25 = arith.constant 0 : index
    %swap3A_26 = arith.constant 0 : index
    %swap3A_27 = vector.load %arg8[%swap3A_25, %swap3A_26] : memref<2000x128xf32, #tpu.memory_space<vmem>>, vector<2000x128xf32>
    tpu.vector_store %arg8[%swap3A_25, %swap3A_26], %dot_general3A_24 {strides = array<i32>} : memref<2000x128xf32, #tpu.memory_space<vmem>>, vector<2000x128xf32>,
    return
  }
  func.func @transform_0(%arg0: i32) -> (i32, i32) {
    %c0_i32 = arith.constant 0 : i32
    %c0_i32_0 = arith.constant 0 : i32
    return %arg0, %c0_i32 : i32, i32
  }
  func.func @transform_1(%arg0: i32) -> (i32, i32) {
    %c0_i32 = arith.constant 0 : i32
    %c0_i32_0 = arith.constant 0 : i32
    %c0_i32_1 = arith.constant 0 : i32
    return %c0_i32, %c0_i32_0 : i32, i32
  }
  func.func @transform_2(%arg0: i32) -> (i32, i32) {
    %c0_i32 = arith.constant 0 : i32
    %c0_i32_0 = arith.constant 0 : i32
    %c0_i32_1 = arith.constant 0 : i32
    return %c0_i32, %c0_i32_0 : i32, i32
  }
  func.func @transform_3(%arg0: i32) -> (i32, i32) {
    %c0_i32 = arith.constant 0 : i32
    %c0_i32_0 = arith.constant 0 : i32
    %c0_i32_1 = arith.constant 0 : i32
    return %c0_i32, %c0_i32_0 : i32, i32
  }
  func.func @transform_4(%arg0: i32) -> (i32, i32) {
    %c0_i32 = arith.constant 0 : i32
    %c0_i32_0 = arith.constant 0 : i32
    %c0_i32_1 = arith.constant 0 : i32
    return %c0_i32, %c0_i32_0 : i32, i32
  }
  func.func @transform_5(%arg0: i32) -> (i32, i32) {
    %c0_i32 = arith.constant 0 : i32
    %c0_i32_0 = arith.constant 0 : i32
    return %arg0, %c0_i32 : i32, i32
  }
  func.func @transform_6(%arg0: i32) -> (i32, i32) {
    %c0_i32 = arith.constant 0 : i32
    %c0_i32_0 = arith.constant 0 : i32
    return %arg0, %c0_i32 : i32, i32
  }
  func.func @transform_7(%arg0: i32) -> (i32, i32) {
    %c0_i32 = arith.constant 0 : i32
    %c0_i32_0 = arith.constant 0 : i32
    return %arg0, %c0_i32 : i32, i32
  }
}

module attributes {stable_mosaic.version = 14 : i64} {
  func.func @_segsum_body(%arg0: i32, %arg1: i32, %arg2: memref<1x1280xi32, #tpu.memory_space<vmem>>, %arg3: memref<1280x128xbf16, #tpu.memory_space<vmem>>, %arg4: memref<2000x128xf32, #tpu.memory_space<vmem>>, %arg5: memref<2000x16xf32, #tpu.memory_space<vmem>>) attributes {dimension_semantics = [#tpu.dimension_semantics<arbitrary>, #tpu.dimension_semantics<arbitrary>], iteration_bounds = array<i64: 5, 250>, scalar_prefetch = 0 : i64, scratch_operands = 0 : i64, tpu.core_type = #tpu.core_type<tc>, window_params = [{transform_indices = @transform_0, window_bounds = array<i64: 1, 1280>}, {transform_indices = @transform_1, window_bounds = array<i64: 1280, 128>}, {transform_indices = @transform_2, window_bounds = array<i64: 2000, 128>}, {transform_indices = @transform_3, window_bounds = array<i64: 2000, 16>}]} {
    %iota3A = tpu.iota {dimensions = array<i32: 0>} : vector<2000x1xi32>
    %mul3A = arith.constant 2000 : i32
    %mul3A_0 = arith.muli %arg0, %mul3A : i32
    %add3A = vector.broadcast %mul3A_0 : i32 to vector<2000x1xi32>
    %add3A_1 = arith.addi %iota3A, %add3A : vector<2000x1xi32>
    %get3A = arith.constant 0 : index
    %get3A_2 = arith.constant 0 : index
    %get3A_3 = vector.load %arg2[%get3A, %get3A_2] : memref<1x1280xi32, #tpu.memory_space<vmem>>, vector<1x1280xi32>
    %eq3A = vector.broadcast %add3A_1 : vector<2000x1xi32> to vector<2000x1280xi32>
    %eq3A_4 = vector.broadcast %get3A_3 : vector<1x1280xi32> to vector<2000x1280xi32>
    %eq3A_5 = arith.cmpi eq, %eq3A, %eq3A_4 : vector<2000x1280xi32>
    %convert_element_type3A = arith.extui %eq3A_5 : vector<2000x1280xi1> to vector<2000x1280xi32>
    %convert_element_type3A_6 = arith.sitofp %convert_element_type3A : vector<2000x1280xi32> to vector<2000x1280xf32>
    %convert_element_type3A_7 = arith.truncf %convert_element_type3A_6 : vector<2000x1280xf32> to vector<2000x1280xbf16>
    %get3A_8 = arith.constant 0 : index
    %get3A_9 = arith.constant 0 : index
    %get3A_10 = vector.load %arg3[%get3A_8, %get3A_9] : memref<1280x128xbf16, #tpu.memory_space<vmem>>, vector<1280x128xbf16>
    %dot_general3A = arith.constant dense<0.000000e+00> : vector<2000x128xf32>
    %dot_general3A_11 = tpu.matmul %convert_element_type3A_7, %get3A_10, %dot_general3A {dimension_numbers = #tpu.dot_dimension_numbers<[1], [0], [0], [1], [0, 0, 1, 1], [], []>, transpose_lhs_hint = false} : vector<2000x1280xbf16>, vector<1280x128xbf16>, vector<2000x128xf32> -> vector<2000x128xf32>
    %eq3A_12 = arith.constant 0 : i32
    %eq3A_13 = arith.cmpi eq, %arg1, %eq3A_12 : i32
    %convert_element_type3A_14 = arith.extui %eq3A_13 : i1 to i32
    %cond3A = arith.constant 0 : i32
    %cond3A_15 = arith.cmpi ne, %convert_element_type3A_14, %cond3A : i32
    scf.if %cond3A_15 {
      %broadcast_in_dim3A_33 = arith.constant 0.000000e+00 : f32
      %broadcast_in_dim3A_34 = vector.broadcast %broadcast_in_dim3A_33 : f32 to vector<2000x128xf32>
      %swap3A_35 = arith.constant 0 : index
      %swap3A_36 = arith.constant 0 : index
      %swap3A_37 = vector.load %arg4[%swap3A_35, %swap3A_36] : memref<2000x128xf32, #tpu.memory_space<vmem>>, vector<2000x128xf32>
      tpu.vector_store %arg4[%swap3A_35, %swap3A_36], %broadcast_in_dim3A_34 {strides = array<i32>} : memref<2000x128xf32, #tpu.memory_space<vmem>>, vector<2000x128xf32>,
      %broadcast_in_dim3A_38 = arith.constant 0.000000e+00 : f32
      %broadcast_in_dim3A_39 = vector.broadcast %broadcast_in_dim3A_38 : f32 to vector<2000x16xf32>
      %swap3A_40 = arith.constant 0 : index
      %swap3A_41 = arith.constant 0 : index
      %swap3A_42 = vector.load %arg5[%swap3A_40, %swap3A_41] : memref<2000x16xf32, #tpu.memory_space<vmem>>, vector<2000x16xf32>
      tpu.vector_store %arg5[%swap3A_40, %swap3A_41], %broadcast_in_dim3A_39 {strides = array<i32>} : memref<2000x16xf32, #tpu.memory_space<vmem>>, vector<2000x16xf32>,
    } else {
    }
    %get3A_16 = arith.constant 0 : index
    %get3A_17 = arith.constant 0 : index
    %get3A_18 = vector.load %arg4[%get3A_16, %get3A_17] : memref<2000x128xf32, #tpu.memory_space<vmem>>, vector<2000x128xf32>
    %add3A_19 = arith.addf %get3A_18, %dot_general3A_11 : vector<2000x128xf32>
    %swap3A = arith.constant 0 : index
    %swap3A_20 = arith.constant 0 : index
    %swap3A_21 = vector.load %arg4[%swap3A, %swap3A_20] : memref<2000x128xf32, #tpu.memory_space<vmem>>, vector<2000x128xf32>
    tpu.vector_store %arg4[%swap3A, %swap3A_20], %add3A_19 {strides = array<i32>} : memref<2000x128xf32, #tpu.memory_space<vmem>>, vector<2000x128xf32>,
    %convert_element_type3A_22 = arith.extf %convert_element_type3A_7 : vector<2000x1280xbf16> to vector<2000x1280xf32>
    %reduce_sum3A = arith.constant dense<0.000000e+00> : vector<2000xf32>
    %reduce_sum3A_23 = vector.multi_reduction <add>, %convert_element_type3A_22, %reduce_sum3A [1] : vector<2000x1280xf32> to vector<2000xf32>
    %broadcast_in_dim3A = vector.shape_cast %reduce_sum3A_23 : vector<2000xf32> to vector<2000x1xf32>
    %get3A_24 = arith.constant 0 : index
    %get3A_25 = arith.constant 0 : index
    %get3A_26 = vector.load %arg5[%get3A_24, %get3A_25] : memref<2000x16xf32, #tpu.memory_space<vmem>>, vector<2000x16xf32>
    %broadcast_in_dim3A_27 = vector.shape_cast %broadcast_in_dim3A : vector<2000x1xf32> to vector<2000x1xf32>
    %broadcast_in_dim3A_28 = vector.broadcast %broadcast_in_dim3A_27 : vector<2000x1xf32> to vector<2000x16xf32>
    %add3A_29 = arith.addf %get3A_26, %broadcast_in_dim3A_28 : vector<2000x16xf32>
    %swap3A_30 = arith.constant 0 : index
    %swap3A_31 = arith.constant 0 : index
    %swap3A_32 = vector.load %arg5[%swap3A_30, %swap3A_31] : memref<2000x16xf32, #tpu.memory_space<vmem>>, vector<2000x16xf32>
    tpu.vector_store %arg5[%swap3A_30, %swap3A_31], %add3A_29 {strides = array<i32>} : memref<2000x16xf32, #tpu.memory_space<vmem>>, vector<2000x16xf32>,
    return
  }
  func.func @transform_0(%arg0: i32, %arg1: i32) -> (i32, i32) {
    %c0_i32 = arith.constant 0 : i32
    %c0_i32_0 = arith.constant 0 : i32
    return %c0_i32, %arg1 : i32, i32
  }
  func.func @transform_1(%arg0: i32, %arg1: i32) -> (i32, i32) {
    %c0_i32 = arith.constant 0 : i32
    %c0_i32_0 = arith.constant 0 : i32
    return %arg1, %c0_i32 : i32, i32
  }
  func.func @transform_2(%arg0: i32, %arg1: i32) -> (i32, i32) {
    %c0_i32 = arith.constant 0 : i32
    %c0_i32_0 = arith.constant 0 : i32
    return %arg0, %c0_i32 : i32, i32
  }
  func.func @transform_3(%arg0: i32, %arg1: i32) -> (i32, i32) {
    %c0_i32 = arith.constant 0 : i32
    %c0_i32_0 = arith.constant 0 : i32
    return %arg0, %c0_i32 : i32, i32
  }
}

module attributes {stable_mosaic.version = 14 : i64} {
  func.func @_node_body(%arg0: i32, %arg1: memref<2000x128xf32, #tpu.memory_space<vmem>>, %arg2: memref<2000x16xf32, #tpu.memory_space<vmem>>, %arg3: memref<2000x128xf32, #tpu.memory_space<vmem>>, %arg4: memref<128x128xf32, #tpu.memory_space<vmem>>, %arg5: memref<1x128xf32, #tpu.memory_space<vmem>>, %arg6: memref<128x384xf32, #tpu.memory_space<vmem>>, %arg7: memref<1x384xf32, #tpu.memory_space<vmem>>, %arg8: memref<128x384xf32, #tpu.memory_space<vmem>>, %arg9: memref<1x384xf32, #tpu.memory_space<vmem>>, %arg10: memref<128x128xf32, #tpu.memory_space<vmem>>, %arg11: memref<128x128xf32, #tpu.memory_space<vmem>>, %arg12: memref<2000x128xf32, #tpu.memory_space<vmem>>, %arg13: memref<2000x128xf32, #tpu.memory_space<vmem>>, %arg14: memref<2000x128xf32, #tpu.memory_space<vmem>>) attributes {dimension_semantics = [#tpu.dimension_semantics<arbitrary>], iteration_bounds = array<i64: 5>, scalar_prefetch = 0 : i64, scratch_operands = 0 : i64, tpu.core_type = #tpu.core_type<tc>, window_params = [{transform_indices = @transform_0, window_bounds = array<i64: 2000, 128>}, {transform_indices = @transform_1, window_bounds = array<i64: 2000, 16>}, {transform_indices = @transform_2, window_bounds = array<i64: 2000, 128>}, {pipeline_mode = #tpu.pipeline_mode<synchronous>, transform_indices = @transform_3, window_bounds = array<i64: 128, 128>}, {pipeline_mode = #tpu.pipeline_mode<synchronous>, transform_indices = @transform_4, window_bounds = array<i64: 1, 128>}, {pipeline_mode = #tpu.pipeline_mode<synchronous>, transform_indices = @transform_5, window_bounds = array<i64: 128, 384>}, {pipeline_mode = #tpu.pipeline_mode<synchronous>, transform_indices = @transform_6, window_bounds = array<i64: 1, 384>}, {pipeline_mode = #tpu.pipeline_mode<synchronous>, transform_indices = @transform_7, window_bounds = array<i64: 128, 384>}, {pipeline_mode = #tpu.pipeline_mode<synchronous>, transform_indices = @transform_8, window_bounds = array<i64: 1, 384>}, {pipeline_mode = #tpu.pipeline_mode<synchronous>, transform_indices = @transform_9, window_bounds = array<i64: 128, 128>}, {pipeline_mode = #tpu.pipeline_mode<synchronous>, transform_indices = @transform_10, window_bounds = array<i64: 128, 128>}, {transform_indices = @transform_11, window_bounds = array<i64: 2000, 128>}, {transform_indices = @transform_12, window_bounds = array<i64: 2000, 128>}, {transform_indices = @transform_13, window_bounds = array<i64: 2000, 128>}]} {
    %get3A = arith.constant 0 : index
    %get3A_0 = arith.constant 0 : index
    %get3A_1 = vector.load %arg2[%get3A, %get3A_0] : memref<2000x16xf32, #tpu.memory_space<vmem>>, vector<2000x16xf32>
    %slice3A = vector.extract_strided_slice %get3A_1 {offsets = [0, 0], sizes = [2000, 1], strides = [1, 1]} : vector<2000x16xf32> to vector<2000x1xf32>
    %max3A = arith.constant 1.000000e+00 : f32
    %max3A_2 = vector.broadcast %max3A : f32 to vector<2000x1xf32>
    %max3A_3 = arith.maximumf %slice3A, %max3A_2 : vector<2000x1xf32>
    %div3A = arith.constant 1.000000e+00 : f32
    %div3A_4 = vector.broadcast %div3A : f32 to vector<2000x1xf32>
    %div3A_5 = arith.divf %div3A_4, %max3A_3 : vector<2000x1xf32>
    %min3A = arith.constant 1.000000e+00 : f32
    %min3A_6 = vector.broadcast %min3A : f32 to vector<2000x1xf32>
    %min3A_7 = arith.minimumf %slice3A, %min3A_6 : vector<2000x1xf32>
    %get3A_8 = arith.constant 0 : index
    %get3A_9 = arith.constant 0 : index
    %get3A_10 = vector.load %arg1[%get3A_8, %get3A_9] : memref<2000x128xf32, #tpu.memory_space<vmem>>, vector<2000x128xf32>
    %mul3A = vector.broadcast %div3A_5 : vector<2000x1xf32> to vector<2000x128xf32>
    %mul3A_11 = arith.mulf %get3A_10, %mul3A : vector<2000x128xf32>
    %get3A_12 = arith.constant 0 : index
    %get3A_13 = arith.constant 0 : index
    %get3A_14 = vector.load %arg4[%get3A_12, %get3A_13] : memref<128x128xf32, #tpu.memory_space<vmem>>, vector<128x128xf32>
    %dot_general3A = arith.constant dense<0.000000e+00> : vector<2000x128xf32>
    %dot_general3A_15 = tpu.matmul %mul3A_11, %get3A_14, %dot_general3A {dimension_numbers = #tpu.dot_dimension_numbers<[1], [0], [0], [1], [0, 0, 1, 1], [], []>, transpose_lhs_hint = false} : vector<2000x128xf32>, vector<128x128xf32>, vector<2000x128xf32> -> vector<2000x128xf32>
    %get3A_16 = arith.constant 0 : index
    %get3A_17 = arith.constant 0 : index
    %get3A_18 = vector.load %arg5[%get3A_16, %get3A_17] : memref<1x128xf32, #tpu.memory_space<vmem>>, vector<1x128xf32>
    %mul3A_19 = vector.broadcast %get3A_18 : vector<1x128xf32> to vector<2000x128xf32>
    %mul3A_20 = vector.broadcast %min3A_7 : vector<2000x1xf32> to vector<2000x128xf32>
    %mul3A_21 = arith.mulf %mul3A_19, %mul3A_20 : vector<2000x128xf32>
    %add3A = arith.addf %dot_general3A_15, %mul3A_21 : vector<2000x128xf32>
    %get3A_22 = arith.constant 0 : index
    %get3A_23 = arith.constant 0 : index
    %get3A_24 = vector.load %arg3[%get3A_22, %get3A_23] : memref<2000x128xf32, #tpu.memory_space<vmem>>, vector<2000x128xf32>
    %get3A_25 = arith.constant 0 : index
    %get3A_26 = arith.constant 0 : index
    %get3A_27 = vector.load %arg6[%get3A_25, %get3A_26] : memref<128x384xf32, #tpu.memory_space<vmem>>, vector<128x384xf32>
    %dot_general3A_28 = arith.constant dense<0.000000e+00> : vector<2000x384xf32>
    %dot_general3A_29 = tpu.matmul %add3A, %get3A_27, %dot_general3A_28 {dimension_numbers = #tpu.dot_dimension_numbers<[1], [0], [0], [1], [0, 0, 1, 1], [], []>, transpose_lhs_hint = false} : vector<2000x128xf32>, vector<128x384xf32>, vector<2000x384xf32> -> vector<2000x384xf32>
    %get3A_30 = arith.constant 0 : index
    %get3A_31 = arith.constant 0 : index
    %get3A_32 = vector.load %arg7[%get3A_30, %get3A_31] : memref<1x384xf32, #tpu.memory_space<vmem>>, vector<1x384xf32>
    %add3A_33 = vector.broadcast %get3A_32 : vector<1x384xf32> to vector<2000x384xf32>
    %add3A_34 = arith.addf %dot_general3A_29, %add3A_33 : vector<2000x384xf32>
    %get3A_35 = arith.constant 0 : index
    %get3A_36 = arith.constant 0 : index
    %get3A_37 = vector.load %arg8[%get3A_35, %get3A_36] : memref<128x384xf32, #tpu.memory_space<vmem>>, vector<128x384xf32>
    %dot_general3A_38 = arith.constant dense<0.000000e+00> : vector<2000x384xf32>
    %dot_general3A_39 = tpu.matmul %get3A_24, %get3A_37, %dot_general3A_38 {dimension_numbers = #tpu.dot_dimension_numbers<[1], [0], [0], [1], [0, 0, 1, 1], [], []>, transpose_lhs_hint = false} : vector<2000x128xf32>, vector<128x384xf32>, vector<2000x384xf32> -> vector<2000x384xf32>
    %get3A_40 = arith.constant 0 : index
    %get3A_41 = arith.constant 0 : index
    %get3A_42 = vector.load %arg9[%get3A_40, %get3A_41] : memref<1x384xf32, #tpu.memory_space<vmem>>, vector<1x384xf32>
    %add3A_43 = vector.broadcast %get3A_42 : vector<1x384xf32> to vector<2000x384xf32>
    %add3A_44 = arith.addf %dot_general3A_39, %add3A_43 : vector<2000x384xf32>
    %slice3A_45 = vector.extract_strided_slice %add3A_34 {offsets = [0, 0], sizes = [2000, 128], strides = [1, 1]} : vector<2000x384xf32> to vector<2000x128xf32>
    %slice3A_46 = vector.extract_strided_slice %add3A_44 {offsets = [0, 0], sizes = [2000, 128], strides = [1, 1]} : vector<2000x384xf32> to vector<2000x128xf32>
    %add3A_47 = arith.addf %slice3A_45, %slice3A_46 : vector<2000x128xf32>
    %logistic3A = arith.negf %add3A_47 : vector<2000x128xf32>
    %logistic3A_48 = math.exp %logistic3A : vector<2000x128xf32>
    %logistic3A_49 = arith.constant 1.000000e+00 : f32
    %logistic3A_50 = vector.broadcast %logistic3A_49 : f32 to vector<2000x128xf32>
    %logistic3A_51 = arith.addf %logistic3A_50, %logistic3A_48 : vector<2000x128xf32>
    %logistic3A_52 = arith.divf %logistic3A_50, %logistic3A_51 : vector<2000x128xf32>
    %slice3A_53 = vector.extract_strided_slice %add3A_34 {offsets = [0, 128], sizes = [2000, 128], strides = [1, 1]} : vector<2000x384xf32> to vector<2000x128xf32>
    %slice3A_54 = vector.extract_strided_slice %add3A_44 {offsets = [0, 128], sizes = [2000, 128], strides = [1, 1]} : vector<2000x384xf32> to vector<2000x128xf32>
    %add3A_55 = arith.addf %slice3A_53, %slice3A_54 : vector<2000x128xf32>
    %logistic3A_56 = arith.negf %add3A_55 : vector<2000x128xf32>
    %logistic3A_57 = math.exp %logistic3A_56 : vector<2000x128xf32>
    %logistic3A_58 = arith.constant 1.000000e+00 : f32
    %logistic3A_59 = vector.broadcast %logistic3A_58 : f32 to vector<2000x128xf32>
    %logistic3A_60 = arith.addf %logistic3A_59, %logistic3A_57 : vector<2000x128xf32>
    %logistic3A_61 = arith.divf %logistic3A_59, %logistic3A_60 : vector<2000x128xf32>
    %slice3A_62 = vector.extract_strided_slice %add3A_34 {offsets = [0, 256], sizes = [2000, 128], strides = [1, 1]} : vector<2000x384xf32> to vector<2000x128xf32>
    %slice3A_63 = vector.extract_strided_slice %add3A_44 {offsets = [0, 256], sizes = [2000, 128], strides = [1, 1]} : vector<2000x384xf32> to vector<2000x128xf32>
    %mul3A_64 = arith.mulf %logistic3A_52, %slice3A_63 : vector<2000x128xf32>
    %add3A_65 = arith.addf %slice3A_62, %mul3A_64 : vector<2000x128xf32>
    %tanh3A = math.tanh %add3A_65 : vector<2000x128xf32>
    %sub3A = arith.constant 1.000000e+00 : f32
    %sub3A_66 = vector.broadcast %sub3A : f32 to vector<2000x128xf32>
    %sub3A_67 = arith.subf %sub3A_66, %logistic3A_61 : vector<2000x128xf32>
    %mul3A_68 = arith.mulf %sub3A_67, %tanh3A : vector<2000x128xf32>
    %mul3A_69 = arith.mulf %logistic3A_61, %get3A_24 : vector<2000x128xf32>
    %add3A_70 = arith.addf %mul3A_68, %mul3A_69 : vector<2000x128xf32>
    %max3A_71 = arith.constant 0.000000e+00 : f32
    %max3A_72 = vector.broadcast %max3A_71 : f32 to vector<2000x128xf32>
    %max3A_73 = arith.maximumf %add3A_70, %max3A_72 : vector<2000x128xf32>
    %swap3A = arith.constant 0 : index
    %swap3A_74 = arith.constant 0 : index
    %swap3A_75 = vector.load %arg12[%swap3A, %swap3A_74] : memref<2000x128xf32, #tpu.memory_space<vmem>>, vector<2000x128xf32>
    tpu.vector_store %arg12[%swap3A, %swap3A_74], %max3A_73 {strides = array<i32>} : memref<2000x128xf32, #tpu.memory_space<vmem>>, vector<2000x128xf32>,
    %get3A_76 = arith.constant 0 : index
    %get3A_77 = arith.constant 0 : index
    %get3A_78 = vector.load %arg10[%get3A_76, %get3A_77] : memref<128x128xf32, #tpu.memory_space<vmem>>, vector<128x128xf32>
    %dot_general3A_79 = arith.constant dense<0.000000e+00> : vector<2000x128xf32>
    %dot_general3A_80 = tpu.matmul %max3A_73, %get3A_78, %dot_general3A_79 {dimension_numbers = #tpu.dot_dimension_numbers<[1], [0], [0], [1], [0, 0, 1, 1], [], []>, transpose_lhs_hint = false} : vector<2000x128xf32>, vector<128x128xf32>, vector<2000x128xf32> -> vector<2000x128xf32>
    %swap3A_81 = arith.constant 0 : index
    %swap3A_82 = arith.constant 0 : index
    %swap3A_83 = vector.load %arg13[%swap3A_81, %swap3A_82] : memref<2000x128xf32, #tpu.memory_space<vmem>>, vector<2000x128xf32>
    tpu.vector_store %arg13[%swap3A_81, %swap3A_82], %dot_general3A_80 {strides = array<i32>} : memref<2000x128xf32, #tpu.memory_space<vmem>>, vector<2000x128xf32>,
    %get3A_84 = arith.constant 0 : index
    %get3A_85 = arith.constant 0 : index
    %get3A_86 = vector.load %arg11[%get3A_84, %get3A_85] : memref<128x128xf32, #tpu.memory_space<vmem>>, vector<128x128xf32>
    %dot_general3A_87 = arith.constant dense<0.000000e+00> : vector<2000x128xf32>
    %dot_general3A_88 = tpu.matmul %max3A_73, %get3A_86, %dot_general3A_87 {dimension_numbers = #tpu.dot_dimension_numbers<[1], [0], [0], [1], [0, 0, 1, 1], [], []>, transpose_lhs_hint = false} : vector<2000x128xf32>, vector<128x128xf32>, vector<2000x128xf32> -> vector<2000x128xf32>
    %swap3A_89 = arith.constant 0 : index
    %swap3A_90 = arith.constant 0 : index
    %swap3A_91 = vector.load %arg14[%swap3A_89, %swap3A_90] : memref<2000x128xf32, #tpu.memory_space<vmem>>, vector<2000x128xf32>
    tpu.vector_store %arg14[%swap3A_89, %swap3A_90], %dot_general3A_88 {strides = array<i32>} : memref<2000x128xf32, #tpu.memory_space<vmem>>, vector<2000x128xf32>,
    return
  }
  func.func @transform_0(%arg0: i32) -> (i32, i32) {
    %c0_i32 = arith.constant 0 : i32
    %c0_i32_0 = arith.constant 0 : i32
    return %arg0, %c0_i32 : i32, i32
  }
  func.func @transform_1(%arg0: i32) -> (i32, i32) {
    %c0_i32 = arith.constant 0 : i32
    %c0_i32_0 = arith.constant 0 : i32
    return %arg0, %c0_i32 : i32, i32
  }
  func.func @transform_2(%arg0: i32) -> (i32, i32) {
    %c0_i32 = arith.constant 0 : i32
    %c0_i32_0 = arith.constant 0 : i32
    return %arg0, %c0_i32 : i32, i32
  }
  func.func @transform_3(%arg0: i32) -> (i32, i32) {
    %c0_i32 = arith.constant 0 : i32
    %c0_i32_0 = arith.constant 0 : i32
    %c0_i32_1 = arith.constant 0 : i32
    return %c0_i32, %c0_i32_0 : i32, i32
  }
  func.func @transform_4(%arg0: i32) -> (i32, i32) {
    %c0_i32 = arith.constant 0 : i32
    %c0_i32_0 = arith.constant 0 : i32
    %c0_i32_1 = arith.constant 0 : i32
    return %c0_i32, %c0_i32_0 : i32, i32
  }
  func.func @transform_5(%arg0: i32) -> (i32, i32) {
    %c0_i32 = arith.constant 0 : i32
    %c0_i32_0 = arith.constant 0 : i32
    %c0_i32_1 = arith.constant 0 : i32
    return %c0_i32, %c0_i32_0 : i32, i32
  }
  func.func @transform_6(%arg0: i32) -> (i32, i32) {
    %c0_i32 = arith.constant 0 : i32
    %c0_i32_0 = arith.constant 0 : i32
    %c0_i32_1 = arith.constant 0 : i32
    return %c0_i32, %c0_i32_0 : i32, i32
  }
  func.func @transform_7(%arg0: i32) -> (i32, i32) {
    %c0_i32 = arith.constant 0 : i32
    %c0_i32_0 = arith.constant 0 : i32
    %c0_i32_1 = arith.constant 0 : i32
    return %c0_i32, %c0_i32_0 : i32, i32
  }
  func.func @transform_8(%arg0: i32) -> (i32, i32) {
    %c0_i32 = arith.constant 0 : i32
    %c0_i32_0 = arith.constant 0 : i32
    %c0_i32_1 = arith.constant 0 : i32
    return %c0_i32, %c0_i32_0 : i32, i32
  }
  func.func @transform_9(%arg0: i32) -> (i32, i32) {
    %c0_i32 = arith.constant 0 : i32
    %c0_i32_0 = arith.constant 0 : i32
    %c0_i32_1 = arith.constant 0 : i32
    return %c0_i32, %c0_i32_0 : i32, i32
  }
  func.func @transform_10(%arg0: i32) -> (i32, i32) {
    %c0_i32 = arith.constant 0 : i32
    %c0_i32_0 = arith.constant 0 : i32
    %c0_i32_1 = arith.constant 0 : i32
    return %c0_i32, %c0_i32_0 : i32, i32
  }
  func.func @transform_11(%arg0: i32) -> (i32, i32) {
    %c0_i32 = arith.constant 0 : i32
    %c0_i32_0 = arith.constant 0 : i32
    return %arg0, %c0_i32 : i32, i32
  }
  func.func @transform_12(%arg0: i32) -> (i32, i32) {
    %c0_i32 = arith.constant 0 : i32
    %c0_i32_0 = arith.constant 0 : i32
    return %arg0, %c0_i32 : i32, i32
  }
  func.func @transform_13(%arg0: i32) -> (i32, i32) {
    %c0_i32 = arith.constant 0 : i32
    %c0_i32_0 = arith.constant 0 : i32
    return %arg0, %c0_i32 : i32, i32
  }
}

module attributes {stable_mosaic.version = 14 : i64} {
  func.func @_segsum_body(%arg0: i32, %arg1: i32, %arg2: memref<1x1280xi32, #tpu.memory_space<vmem>>, %arg3: memref<1280x128xbf16, #tpu.memory_space<vmem>>, %arg4: memref<2000x128xf32, #tpu.memory_space<vmem>>, %arg5: memref<2000x16xf32, #tpu.memory_space<vmem>>) attributes {dimension_semantics = [#tpu.dimension_semantics<arbitrary>, #tpu.dimension_semantics<arbitrary>], iteration_bounds = array<i64: 5, 250>, scalar_prefetch = 0 : i64, scratch_operands = 0 : i64, tpu.core_type = #tpu.core_type<tc>, window_params = [{transform_indices = @transform_0, window_bounds = array<i64: 1, 1280>}, {transform_indices = @transform_1, window_bounds = array<i64: 1280, 128>}, {transform_indices = @transform_2, window_bounds = array<i64: 2000, 128>}, {transform_indices = @transform_3, window_bounds = array<i64: 2000, 16>}]} {
    %iota3A = tpu.iota {dimensions = array<i32: 0>} : vector<2000x1xi32>
    %mul3A = arith.constant 2000 : i32
    %mul3A_0 = arith.muli %arg0, %mul3A : i32
    %add3A = vector.broadcast %mul3A_0 : i32 to vector<2000x1xi32>
    %add3A_1 = arith.addi %iota3A, %add3A : vector<2000x1xi32>
    %get3A = arith.constant 0 : index
    %get3A_2 = arith.constant 0 : index
    %get3A_3 = vector.load %arg2[%get3A, %get3A_2] : memref<1x1280xi32, #tpu.memory_space<vmem>>, vector<1x1280xi32>
    %eq3A = vector.broadcast %add3A_1 : vector<2000x1xi32> to vector<2000x1280xi32>
    %eq3A_4 = vector.broadcast %get3A_3 : vector<1x1280xi32> to vector<2000x1280xi32>
    %eq3A_5 = arith.cmpi eq, %eq3A, %eq3A_4 : vector<2000x1280xi32>
    %convert_element_type3A = arith.extui %eq3A_5 : vector<2000x1280xi1> to vector<2000x1280xi32>
    %convert_element_type3A_6 = arith.sitofp %convert_element_type3A : vector<2000x1280xi32> to vector<2000x1280xf32>
    %convert_element_type3A_7 = arith.truncf %convert_element_type3A_6 : vector<2000x1280xf32> to vector<2000x1280xbf16>
    %get3A_8 = arith.constant 0 : index
    %get3A_9 = arith.constant 0 : index
    %get3A_10 = vector.load %arg3[%get3A_8, %get3A_9] : memref<1280x128xbf16, #tpu.memory_space<vmem>>, vector<1280x128xbf16>
    %dot_general3A = arith.constant dense<0.000000e+00> : vector<2000x128xf32>
    %dot_general3A_11 = tpu.matmul %convert_element_type3A_7, %get3A_10, %dot_general3A {dimension_numbers = #tpu.dot_dimension_numbers<[1], [0], [0], [1], [0, 0, 1, 1], [], []>, transpose_lhs_hint = false} : vector<2000x1280xbf16>, vector<1280x128xbf16>, vector<2000x128xf32> -> vector<2000x128xf32>
    %eq3A_12 = arith.constant 0 : i32
    %eq3A_13 = arith.cmpi eq, %arg1, %eq3A_12 : i32
    %convert_element_type3A_14 = arith.extui %eq3A_13 : i1 to i32
    %cond3A = arith.constant 0 : i32
    %cond3A_15 = arith.cmpi ne, %convert_element_type3A_14, %cond3A : i32
    scf.if %cond3A_15 {
      %broadcast_in_dim3A = arith.constant 0.000000e+00 : f32
      %broadcast_in_dim3A_22 = vector.broadcast %broadcast_in_dim3A : f32 to vector<2000x128xf32>
      %swap3A_23 = arith.constant 0 : index
      %swap3A_24 = arith.constant 0 : index
      %swap3A_25 = vector.load %arg4[%swap3A_23, %swap3A_24] : memref<2000x128xf32, #tpu.memory_space<vmem>>, vector<2000x128xf32>
      tpu.vector_store %arg4[%swap3A_23, %swap3A_24], %broadcast_in_dim3A_22 {strides = array<i32>} : memref<2000x128xf32, #tpu.memory_space<vmem>>, vector<2000x128xf32>,
    } else {
    }
    %get3A_16 = arith.constant 0 : index
    %get3A_17 = arith.constant 0 : index
    %get3A_18 = vector.load %arg4[%get3A_16, %get3A_17] : memref<2000x128xf32, #tpu.memory_space<vmem>>, vector<2000x128xf32>
    %add3A_19 = arith.addf %get3A_18, %dot_general3A_11 : vector<2000x128xf32>
    %swap3A = arith.constant 0 : index
    %swap3A_20 = arith.constant 0 : index
    %swap3A_21 = vector.load %arg4[%swap3A, %swap3A_20] : memref<2000x128xf32, #tpu.memory_space<vmem>>, vector<2000x128xf32>
    tpu.vector_store %arg4[%swap3A, %swap3A_20], %add3A_19 {strides = array<i32>} : memref<2000x128xf32, #tpu.memory_space<vmem>>, vector<2000x128xf32>,
    return
  }
  func.func @transform_0(%arg0: i32, %arg1: i32) -> (i32, i32) {
    %c0_i32 = arith.constant 0 : i32
    %c0_i32_0 = arith.constant 0 : i32
    return %c0_i32, %arg1 : i32, i32
  }
  func.func @transform_1(%arg0: i32, %arg1: i32) -> (i32, i32) {
    %c0_i32 = arith.constant 0 : i32
    %c0_i32_0 = arith.constant 0 : i32
    return %arg1, %c0_i32 : i32, i32
  }
  func.func @transform_2(%arg0: i32, %arg1: i32) -> (i32, i32) {
    %c0_i32 = arith.constant 0 : i32
    %c0_i32_0 = arith.constant 0 : i32
    return %arg0, %c0_i32 : i32, i32
  }
  func.func @transform_3(%arg0: i32, %arg1: i32) -> (i32, i32) {
    %c0_i32 = arith.constant 0 : i32
    %c0_i32_0 = arith.constant 0 : i32
    return %arg0, %c0_i32 : i32, i32
  }
}

module attributes {stable_mosaic.version = 14 : i64} {
  func.func @_node_body(%arg0: i32, %arg1: memref<2000x128xf32, #tpu.memory_space<vmem>>, %arg2: memref<2000x16xf32, #tpu.memory_space<vmem>>, %arg3: memref<2000x128xf32, #tpu.memory_space<vmem>>, %arg4: memref<128x128xf32, #tpu.memory_space<vmem>>, %arg5: memref<1x128xf32, #tpu.memory_space<vmem>>, %arg6: memref<128x384xf32, #tpu.memory_space<vmem>>, %arg7: memref<1x384xf32, #tpu.memory_space<vmem>>, %arg8: memref<128x384xf32, #tpu.memory_space<vmem>>, %arg9: memref<1x384xf32, #tpu.memory_space<vmem>>, %arg10: memref<128x128xf32, #tpu.memory_space<vmem>>, %arg11: memref<128x128xf32, #tpu.memory_space<vmem>>, %arg12: memref<1x128xf32, #tpu.memory_space<vmem>>, %arg13: memref<1x128xf32, #tpu.memory_space<vmem>>, %arg14: memref<1x128xf32, #tpu.memory_space<vmem>>) attributes {dimension_semantics = [#tpu.dimension_semantics<arbitrary>], iteration_bounds = array<i64: 5>, scalar_prefetch = 0 : i64, scratch_operands = 0 : i64, tpu.core_type = #tpu.core_type<tc>, window_params = [{transform_indices = @transform_0, window_bounds = array<i64: 2000, 128>}, {transform_indices = @transform_1, window_bounds = array<i64: 2000, 16>}, {transform_indices = @transform_2, window_bounds = array<i64: 2000, 128>}, {pipeline_mode = #tpu.pipeline_mode<synchronous>, transform_indices = @transform_3, window_bounds = array<i64: 128, 128>}, {pipeline_mode = #tpu.pipeline_mode<synchronous>, transform_indices = @transform_4, window_bounds = array<i64: 1, 128>}, {pipeline_mode = #tpu.pipeline_mode<synchronous>, transform_indices = @transform_5, window_bounds = array<i64: 128, 384>}, {pipeline_mode = #tpu.pipeline_mode<synchronous>, transform_indices = @transform_6, window_bounds = array<i64: 1, 384>}, {pipeline_mode = #tpu.pipeline_mode<synchronous>, transform_indices = @transform_7, window_bounds = array<i64: 128, 384>}, {pipeline_mode = #tpu.pipeline_mode<synchronous>, transform_indices = @transform_8, window_bounds = array<i64: 1, 384>}, {pipeline_mode = #tpu.pipeline_mode<synchronous>, transform_indices = @transform_9, window_bounds = array<i64: 128, 128>}, {pipeline_mode = #tpu.pipeline_mode<synchronous>, transform_indices = @transform_10, window_bounds = array<i64: 128, 128>}, {pipeline_mode = #tpu.pipeline_mode<synchronous>, transform_indices = @transform_11, window_bounds = array<i64: 1, 128>}, {pipeline_mode = #tpu.pipeline_mode<synchronous>, transform_indices = @transform_12, window_bounds = array<i64: 1, 128>}, {pipeline_mode = #tpu.pipeline_mode<synchronous>, transform_indices = @transform_13, window_bounds = array<i64: 1, 128>}]} {
    %get3A = arith.constant 0 : index
    %get3A_0 = arith.constant 0 : index
    %get3A_1 = vector.load %arg2[%get3A, %get3A_0] : memref<2000x16xf32, #tpu.memory_space<vmem>>, vector<2000x16xf32>
    %slice3A = vector.extract_strided_slice %get3A_1 {offsets = [0, 0], sizes = [2000, 1], strides = [1, 1]} : vector<2000x16xf32> to vector<2000x1xf32>
    %max3A = arith.constant 1.000000e+00 : f32
    %max3A_2 = vector.broadcast %max3A : f32 to vector<2000x1xf32>
    %max3A_3 = arith.maximumf %slice3A, %max3A_2 : vector<2000x1xf32>
    %div3A = arith.constant 1.000000e+00 : f32
    %div3A_4 = vector.broadcast %div3A : f32 to vector<2000x1xf32>
    %div3A_5 = arith.divf %div3A_4, %max3A_3 : vector<2000x1xf32>
    %min3A = arith.constant 1.000000e+00 : f32
    %min3A_6 = vector.broadcast %min3A : f32 to vector<2000x1xf32>
    %min3A_7 = arith.minimumf %slice3A, %min3A_6 : vector<2000x1xf32>
    %get3A_8 = arith.constant 0 : index
    %get3A_9 = arith.constant 0 : index
    %get3A_10 = vector.load %arg1[%get3A_8, %get3A_9] : memref<2000x128xf32, #tpu.memory_space<vmem>>, vector<2000x128xf32>
    %mul3A = vector.broadcast %div3A_5 : vector<2000x1xf32> to vector<2000x128xf32>
    %mul3A_11 = arith.mulf %get3A_10, %mul3A : vector<2000x128xf32>
    %get3A_12 = arith.constant 0 : index
    %get3A_13 = arith.constant 0 : index
    %get3A_14 = vector.load %arg4[%get3A_12, %get3A_13] : memref<128x128xf32, #tpu.memory_space<vmem>>, vector<128x128xf32>
    %dot_general3A = arith.constant dense<0.000000e+00> : vector<2000x128xf32>
    %dot_general3A_15 = tpu.matmul %mul3A_11, %get3A_14, %dot_general3A {dimension_numbers = #tpu.dot_dimension_numbers<[1], [0], [0], [1], [0, 0, 1, 1], [], []>, transpose_lhs_hint = false} : vector<2000x128xf32>, vector<128x128xf32>, vector<2000x128xf32> -> vector<2000x128xf32>
    %get3A_16 = arith.constant 0 : index
    %get3A_17 = arith.constant 0 : index
    %get3A_18 = vector.load %arg5[%get3A_16, %get3A_17] : memref<1x128xf32, #tpu.memory_space<vmem>>, vector<1x128xf32>
    %mul3A_19 = vector.broadcast %get3A_18 : vector<1x128xf32> to vector<2000x128xf32>
    %mul3A_20 = vector.broadcast %min3A_7 : vector<2000x1xf32> to vector<2000x128xf32>
    %mul3A_21 = arith.mulf %mul3A_19, %mul3A_20 : vector<2000x128xf32>
    %add3A = arith.addf %dot_general3A_15, %mul3A_21 : vector<2000x128xf32>
    %get3A_22 = arith.constant 0 : index
    %get3A_23 = arith.constant 0 : index
    %get3A_24 = vector.load %arg3[%get3A_22, %get3A_23] : memref<2000x128xf32, #tpu.memory_space<vmem>>, vector<2000x128xf32>
    %get3A_25 = arith.constant 0 : index
    %get3A_26 = arith.constant 0 : index
    %get3A_27 = vector.load %arg6[%get3A_25, %get3A_26] : memref<128x384xf32, #tpu.memory_space<vmem>>, vector<128x384xf32>
    %dot_general3A_28 = arith.constant dense<0.000000e+00> : vector<2000x384xf32>
    %dot_general3A_29 = tpu.matmul %add3A, %get3A_27, %dot_general3A_28 {dimension_numbers = #tpu.dot_dimension_numbers<[1], [0], [0], [1], [0, 0, 1, 1], [], []>, transpose_lhs_hint = false} : vector<2000x128xf32>, vector<128x384xf32>, vector<2000x384xf32> -> vector<2000x384xf32>
    %get3A_30 = arith.constant 0 : index
    %get3A_31 = arith.constant 0 : index
    %get3A_32 = vector.load %arg7[%get3A_30, %get3A_31] : memref<1x384xf32, #tpu.memory_space<vmem>>, vector<1x384xf32>
    %add3A_33 = vector.broadcast %get3A_32 : vector<1x384xf32> to vector<2000x384xf32>
    %add3A_34 = arith.addf %dot_general3A_29, %add3A_33 : vector<2000x384xf32>
    %get3A_35 = arith.constant 0 : index
    %get3A_36 = arith.constant 0 : index
    %get3A_37 = vector.load %arg8[%get3A_35, %get3A_36] : memref<128x384xf32, #tpu.memory_space<vmem>>, vector<128x384xf32>
    %dot_general3A_38 = arith.constant dense<0.000000e+00> : vector<2000x384xf32>
    %dot_general3A_39 = tpu.matmul %get3A_24, %get3A_37, %dot_general3A_38 {dimension_numbers = #tpu.dot_dimension_numbers<[1], [0], [0], [1], [0, 0, 1, 1], [], []>, transpose_lhs_hint = false} : vector<2000x128xf32>, vector<128x384xf32>, vector<2000x384xf32> -> vector<2000x384xf32>
    %get3A_40 = arith.constant 0 : index
    %get3A_41 = arith.constant 0 : index
    %get3A_42 = vector.load %arg9[%get3A_40, %get3A_41] : memref<1x384xf32, #tpu.memory_space<vmem>>, vector<1x384xf32>
    %add3A_43 = vector.broadcast %get3A_42 : vector<1x384xf32> to vector<2000x384xf32>
    %add3A_44 = arith.addf %dot_general3A_39, %add3A_43 : vector<2000x384xf32>
    %slice3A_45 = vector.extract_strided_slice %add3A_34 {offsets = [0, 0], sizes = [2000, 128], strides = [1, 1]} : vector<2000x384xf32> to vector<2000x128xf32>
    %slice3A_46 = vector.extract_strided_slice %add3A_44 {offsets = [0, 0], sizes = [2000, 128], strides = [1, 1]} : vector<2000x384xf32> to vector<2000x128xf32>
    %add3A_47 = arith.addf %slice3A_45, %slice3A_46 : vector<2000x128xf32>
    %logistic3A = arith.negf %add3A_47 : vector<2000x128xf32>
    %logistic3A_48 = math.exp %logistic3A : vector<2000x128xf32>
    %logistic3A_49 = arith.constant 1.000000e+00 : f32
    %logistic3A_50 = vector.broadcast %logistic3A_49 : f32 to vector<2000x128xf32>
    %logistic3A_51 = arith.addf %logistic3A_50, %logistic3A_48 : vector<2000x128xf32>
    %logistic3A_52 = arith.divf %logistic3A_50, %logistic3A_51 : vector<2000x128xf32>
    %slice3A_53 = vector.extract_strided_slice %add3A_34 {offsets = [0, 128], sizes = [2000, 128], strides = [1, 1]} : vector<2000x384xf32> to vector<2000x128xf32>
    %slice3A_54 = vector.extract_strided_slice %add3A_44 {offsets = [0, 128], sizes = [2000, 128], strides = [1, 1]} : vector<2000x384xf32> to vector<2000x128xf32>
    %add3A_55 = arith.addf %slice3A_53, %slice3A_54 : vector<2000x128xf32>
    %logistic3A_56 = arith.negf %add3A_55 : vector<2000x128xf32>
    %logistic3A_57 = math.exp %logistic3A_56 : vector<2000x128xf32>
    %logistic3A_58 = arith.constant 1.000000e+00 : f32
    %logistic3A_59 = vector.broadcast %logistic3A_58 : f32 to vector<2000x128xf32>
    %logistic3A_60 = arith.addf %logistic3A_59, %logistic3A_57 : vector<2000x128xf32>
    %logistic3A_61 = arith.divf %logistic3A_59, %logistic3A_60 : vector<2000x128xf32>
    %slice3A_62 = vector.extract_strided_slice %add3A_34 {offsets = [0, 256], sizes = [2000, 128], strides = [1, 1]} : vector<2000x384xf32> to vector<2000x128xf32>
    %slice3A_63 = vector.extract_strided_slice %add3A_44 {offsets = [0, 256], sizes = [2000, 128], strides = [1, 1]} : vector<2000x384xf32> to vector<2000x128xf32>
    %mul3A_64 = arith.mulf %logistic3A_52, %slice3A_63 : vector<2000x128xf32>
    %add3A_65 = arith.addf %slice3A_62, %mul3A_64 : vector<2000x128xf32>
    %tanh3A = math.tanh %add3A_65 : vector<2000x128xf32>
    %sub3A = arith.constant 1.000000e+00 : f32
    %sub3A_66 = vector.broadcast %sub3A : f32 to vector<2000x128xf32>
    %sub3A_67 = arith.subf %sub3A_66, %logistic3A_61 : vector<2000x128xf32>
    %mul3A_68 = arith.mulf %sub3A_67, %tanh3A : vector<2000x128xf32>
    %mul3A_69 = arith.mulf %logistic3A_61, %get3A_24 : vector<2000x128xf32>
    %add3A_70 = arith.addf %mul3A_68, %mul3A_69 : vector<2000x128xf32>
    %max3A_71 = arith.constant 0.000000e+00 : f32
    %max3A_72 = vector.broadcast %max3A_71 : f32 to vector<2000x128xf32>
    %max3A_73 = arith.maximumf %add3A_70, %max3A_72 : vector<2000x128xf32>
    %reduce_sum3A = arith.constant dense<0.000000e+00> : vector<128xf32>
    %reduce_sum3A_74 = vector.multi_reduction <add>, %max3A_73, %reduce_sum3A [0] : vector<2000x128xf32> to vector<128xf32>
    %broadcast_in_dim3A = vector.shape_cast %reduce_sum3A_74 : vector<128xf32> to vector<1x128xf32>
    %eq3A = arith.constant 0 : i32
    %eq3A_75 = arith.cmpi eq, %arg0, %eq3A : i32
    %convert_element_type3A = arith.extui %eq3A_75 : i1 to i32
    %cond3A = arith.constant 0 : i32
    %cond3A_76 = arith.cmpi ne, %convert_element_type3A, %cond3A : i32
    scf.if %cond3A_76 {
      %swap3A = arith.constant 0 : index
      %swap3A_81 = arith.constant 0 : index
      %swap3A_82 = vector.load %arg12[%swap3A, %swap3A_81] : memref<1x128xf32, #tpu.memory_space<vmem>>, vector<1x128xf32>
      tpu.vector_store %arg12[%swap3A, %swap3A_81], %broadcast_in_dim3A {strides = array<i32>} : memref<1x128xf32, #tpu.memory_space<vmem>>, vector<1x128xf32>,
    } else {
    }
    %gt3A = arith.constant 0 : i32
    %gt3A_77 = arith.cmpi sgt, %arg0, %gt3A : i32
    %convert_element_type3A_78 = arith.extui %gt3A_77 : i1 to i32
    %cond3A_79 = arith.constant 0 : i32
    %cond3A_80 = arith.cmpi ne, %convert_element_type3A_78, %cond3A_79 : i32
    scf.if %cond3A_80 {
      %get3A_81 = arith.constant 0 : index
      %get3A_82 = arith.constant 0 : index
      %get3A_83 = vector.load %arg12[%get3A_81, %get3A_82] : memref<1x128xf32, #tpu.memory_space<vmem>>, vector<1x128xf32>
      %add3A_84 = arith.addf %get3A_83, %broadcast_in_dim3A : vector<1x128xf32>
      %swap3A = arith.constant 0 : index
      %swap3A_85 = arith.constant 0 : index
      %swap3A_86 = vector.load %arg12[%swap3A, %swap3A_85] : memref<1x128xf32, #tpu.memory_space<vmem>>, vector<1x128xf32>
      tpu.vector_store %arg12[%swap3A, %swap3A_85], %add3A_84 {strides = array<i32>} : memref<1x128xf32, #tpu.memory_space<vmem>>, vector<1x128xf32>,
    } else {
    }
    return
  }
  func.func @transform_0(%arg0: i32) -> (i32, i32) {
    %c0_i32 = arith.constant 0 : i32
    %c0_i32_0 = arith.constant 0 : i32
    return %arg0, %c0_i32 : i32, i32
  }
  func.func @transform_1(%arg0: i32) -> (i32, i32) {
    %c0_i32 = arith.constant 0 : i32
    %c0_i32_0 = arith.constant 0 : i32
    return %arg0, %c0_i32 : i32, i32
  }
  func.func @transform_2(%arg0: i32) -> (i32, i32) {
    %c0_i32 = arith.constant 0 : i32
    %c0_i32_0 = arith.constant 0 : i32
    return %arg0, %c0_i32 : i32, i32
  }
  func.func @transform_3(%arg0: i32) -> (i32, i32) {
    %c0_i32 = arith.constant 0 : i32
    %c0_i32_0 = arith.constant 0 : i32
    %c0_i32_1 = arith.constant 0 : i32
    return %c0_i32, %c0_i32_0 : i32, i32
  }
  func.func @transform_4(%arg0: i32) -> (i32, i32) {
    %c0_i32 = arith.constant 0 : i32
    %c0_i32_0 = arith.constant 0 : i32
    %c0_i32_1 = arith.constant 0 : i32
    return %c0_i32, %c0_i32_0 : i32, i32
  }
  func.func @transform_5(%arg0: i32) -> (i32, i32) {
    %c0_i32 = arith.constant 0 : i32
    %c0_i32_0 = arith.constant 0 : i32
    %c0_i32_1 = arith.constant 0 : i32
    return %c0_i32, %c0_i32_0 : i32, i32
  }
  func.func @transform_6(%arg0: i32) -> (i32, i32) {
    %c0_i32 = arith.constant 0 : i32
    %c0_i32_0 = arith.constant 0 : i32
    %c0_i32_1 = arith.constant 0 : i32
    return %c0_i32, %c0_i32_0 : i32, i32
  }
  func.func @transform_7(%arg0: i32) -> (i32, i32) {
    %c0_i32 = arith.constant 0 : i32
    %c0_i32_0 = arith.constant 0 : i32
    %c0_i32_1 = arith.constant 0 : i32
    return %c0_i32, %c0_i32_0 : i32, i32
  }
  func.func @transform_8(%arg0: i32) -> (i32, i32) {
    %c0_i32 = arith.constant 0 : i32
    %c0_i32_0 = arith.constant 0 : i32
    %c0_i32_1 = arith.constant 0 : i32
    return %c0_i32, %c0_i32_0 : i32, i32
  }
  func.func @transform_9(%arg0: i32) -> (i32, i32) {
    %c0_i32 = arith.constant 0 : i32
    %c0_i32_0 = arith.constant 0 : i32
    %c0_i32_1 = arith.constant 0 : i32
    return %c0_i32, %c0_i32_0 : i32, i32
  }
  func.func @transform_10(%arg0: i32) -> (i32, i32) {
    %c0_i32 = arith.constant 0 : i32
    %c0_i32_0 = arith.constant 0 : i32
    %c0_i32_1 = arith.constant 0 : i32
    return %c0_i32, %c0_i32_0 : i32, i32
  }
  func.func @transform_11(%arg0: i32) -> (i32, i32) {
    %c0_i32 = arith.constant 0 : i32
    %c0_i32_0 = arith.constant 0 : i32
    %c0_i32_1 = arith.constant 0 : i32
    return %c0_i32, %c0_i32_0 : i32, i32
  }
  func.func @transform_12(%arg0: i32) -> (i32, i32) {
    %c0_i32 = arith.constant 0 : i32
    %c0_i32_0 = arith.constant 0 : i32
    %c0_i32_1 = arith.constant 0 : i32
    return %c0_i32, %c0_i32_0 : i32, i32
  }
  func.func @transform_13(%arg0: i32) -> (i32, i32) {
    %c0_i32 = arith.constant 0 : i32
    %c0_i32_0 = arith.constant 0 : i32
    %c0_i32_1 = arith.constant 0 : i32
    return %c0_i32, %c0_i32_0 : i32, i32
  }
}

module attributes {stable_mosaic.version = 14 : i64} {
  func.func @_readout_body(%arg0: memref<1x128xf32, #tpu.memory_space<vmem>>, %arg1: memref<1x64xf32, #tpu.memory_space<vmem>>, %arg2: memref<192x128xf32, #tpu.memory_space<vmem>>, %arg3: memref<1x128xf32, #tpu.memory_space<vmem>>, %arg4: memref<128x64xf32, #tpu.memory_space<vmem>>, %arg5: memref<1x64xf32, #tpu.memory_space<vmem>>, %arg6: memref<64x1xf32, #tpu.memory_space<vmem>>, %arg7: memref<1x1xf32, #tpu.memory_space<vmem>>, %arg8: memref<1x1xf32, #tpu.memory_space<vmem>>) attributes {dimension_semantics = [], scalar_prefetch = 0 : i64, scratch_operands = 0 : i64, tpu.core_type = #tpu.core_type<tc>} {
    %get3A = arith.constant 0 : index
    %get3A_0 = arith.constant 0 : index
    %get3A_1 = vector.load %arg0[%get3A, %get3A_0] : memref<1x128xf32, #tpu.memory_space<vmem>>, vector<1x128xf32>
    %reduce_sum3A = arith.constant dense<0.000000e+00> : vector<128xf32>
    %reduce_sum3A_2 = vector.multi_reduction <add>, %get3A_1, %reduce_sum3A [0] : vector<1x128xf32> to vector<128xf32>
    %broadcast_in_dim3A = vector.shape_cast %reduce_sum3A_2 : vector<128xf32> to vector<1x128xf32>
    %mul3A = arith.constant 9.99999974E-5 : f32
    %mul3A_3 = vector.broadcast %mul3A : f32 to vector<1x128xf32>
    %mul3A_4 = arith.mulf %broadcast_in_dim3A, %mul3A_3 : vector<1x128xf32>
    %get3A_5 = arith.constant 0 : index
    %get3A_6 = arith.constant 0 : index
    %get3A_7 = vector.load %arg1[%get3A_5, %get3A_6] : memref<1x64xf32, #tpu.memory_space<vmem>>, vector<1x64xf32>
    %concatenate3A = tpu.concatenate %mul3A_4, %get3A_7 in 1 : vector<1x128xf32>, vector<1x64xf32> -> vector<1x192xf32>
    %get3A_8 = arith.constant 0 : index
    %get3A_9 = arith.constant 0 : index
    %get3A_10 = vector.load %arg2[%get3A_8, %get3A_9] : memref<192x128xf32, #tpu.memory_space<vmem>>, vector<192x128xf32>
    %dot_general3A = arith.constant dense<0.000000e+00> : vector<1x128xf32>
    %dot_general3A_11 = tpu.matmul %concatenate3A, %get3A_10, %dot_general3A {dimension_numbers = #tpu.dot_dimension_numbers<[1], [0], [0], [1], [0, 0, 1, 1], [], []>, transpose_lhs_hint = false} : vector<1x192xf32>, vector<192x128xf32>, vector<1x128xf32> -> vector<1x128xf32>
    %get3A_12 = arith.constant 0 : index
    %get3A_13 = arith.constant 0 : index
    %get3A_14 = vector.load %arg3[%get3A_12, %get3A_13] : memref<1x128xf32, #tpu.memory_space<vmem>>, vector<1x128xf32>
    %add3A = arith.addf %dot_general3A_11, %get3A_14 : vector<1x128xf32>
    %max3A = arith.constant 0.000000e+00 : f32
    %max3A_15 = vector.broadcast %max3A : f32 to vector<1x128xf32>
    %max3A_16 = arith.maximumf %add3A, %max3A_15 : vector<1x128xf32>
    %get3A_17 = arith.constant 0 : index
    %get3A_18 = arith.constant 0 : index
    %get3A_19 = vector.load %arg4[%get3A_17, %get3A_18] : memref<128x64xf32, #tpu.memory_space<vmem>>, vector<128x64xf32>
    %dot_general3A_20 = arith.constant dense<0.000000e+00> : vector<1x64xf32>
    %dot_general3A_21 = tpu.matmul %max3A_16, %get3A_19, %dot_general3A_20 {dimension_numbers = #tpu.dot_dimension_numbers<[1], [0], [0], [1], [0, 0, 1, 1], [], []>, transpose_lhs_hint = false} : vector<1x128xf32>, vector<128x64xf32>, vector<1x64xf32> -> vector<1x64xf32>
    %get3A_22 = arith.constant 0 : index
    %get3A_23 = arith.constant 0 : index
    %get3A_24 = vector.load %arg5[%get3A_22, %get3A_23] : memref<1x64xf32, #tpu.memory_space<vmem>>, vector<1x64xf32>
    %add3A_25 = arith.addf %dot_general3A_21, %get3A_24 : vector<1x64xf32>
    %max3A_26 = arith.constant 0.000000e+00 : f32
    %max3A_27 = vector.broadcast %max3A_26 : f32 to vector<1x64xf32>
    %max3A_28 = arith.maximumf %add3A_25, %max3A_27 : vector<1x64xf32>
    %get3A_29 = arith.constant 0 : index
    %get3A_30 = arith.constant 0 : index
    %get3A_31 = vector.load %arg6[%get3A_29, %get3A_30] : memref<64x1xf32, #tpu.memory_space<vmem>>, vector<64x1xf32>
    %dot_general3A_32 = arith.constant dense<0.000000e+00> : vector<1x1xf32>
    %dot_general3A_33 = tpu.matmul %max3A_28, %get3A_31, %dot_general3A_32 {dimension_numbers = #tpu.dot_dimension_numbers<[1], [0], [0], [1], [0, 0, 1, 1], [], []>, transpose_lhs_hint = false} : vector<1x64xf32>, vector<64x1xf32>, vector<1x1xf32> -> vector<1x1xf32>
    %get3A_34 = arith.constant 0 : index
    %get3A_35 = arith.constant 0 : index
    %get3A_36 = vector.load %arg7[%get3A_34, %get3A_35] : memref<1x1xf32, #tpu.memory_space<vmem>>, vector<1x1xf32>
    %add3A_37 = arith.addf %dot_general3A_33, %get3A_36 : vector<1x1xf32>
    %swap3A = arith.constant 0 : index
    %swap3A_38 = arith.constant 0 : index
    %swap3A_39 = vector.load %arg8[%swap3A, %swap3A_38] : memref<1x1xf32, #tpu.memory_space<vmem>>, vector<1x1xf32>
    tpu.vector_store %arg8[%swap3A, %swap3A_38], %add3A_37 {strides = array<i32>} : memref<1x1xf32, #tpu.memory_space<vmem>>, vector<1x1xf32>,
    return
  }
}

</mosaic_0001>

<sc_bundles>
// kernel: kernel.14.cloned.1.call-start
scs
__scs_entry_jumppad:
0x0: {  	(pc) =	sbr.rel $0x88, $3  }
0x1: {  	(tag) =	ssettag $0x0;
	lr =	simm.s32 $0x1  }
0x2: {  	[smem:$0x3F7B] =	sst lr;
	_ =	strace $0xD0000000  }
0x3: {  	_ = 	snop  }
0x4: {  	_ = 	snop  }
0x5: {  	_ = 	snop  }
0x6: {  	_ = 	snop  }
0x7: {  	_ = 	snop  }
__scs_overlays_trampoline_lowered:
0x8: {  	[smem:$0x3F8A] =	sst s0  }
0x9: {  	[smem:$0x3F8B] =	sst s1  }
0xa: {  	[smem:$0x3F8C] =	sst s2  }
0xb: {  	[smem:$0x3F8D] =	sst s3  }
0xc: {  	[smem:$0x3F8E] =	sst s4  }
0xd: {  	[smem:$0x3F8F] =	sst s5  }
0xe: {  	[smem:$0x3F90] =	sst s6  }
0xf: {  	[smem:$0x3F91] =	sst s7  }
0x10: {  	[smem:$0x3F92] =	sst s8  }
0x11: {  	[smem:$0x3F93] =	sst s9;
	s0 =	simm.s32 @!p0 $0x0  }
0x12: {  	s1 =	sld [smem:$0x3F79];
	s0 =	simm.s32 @p0 $0x1  }
0x13: {  	[smem:$0x3F94] =	sst s0;
	s0 =	simm.s32 @!p1 $0x0  }
0x14: {  	s2 =	sld [smem:$0x3F78];
	s0 =	simm.s32 @p1 $0x1  }
0x15: {  	[smem:$0x3F95] =	sst s0;
	s0 =	simm.s32 @!p2 $0x0  }
0x16: {  	s3 =	sld [smem:$0x3FDB];
	s0 =	simm.s32 @p2 $0x1  }
0x17: {  	s4 =	simm.s32 $0x1BF5;
	[smem:$0x3F97] =	sst s0  }
0x18: {  	s0 =	sld [smem:$0x3F7A];
	_ =	swait.ge [sflag:s4], $0x0  }
0x19: {  	s7 =	sld [smem:$0x3F7B]  }
0x1a: {  	s8 =	sadd.s32 $0xFFFFE003, lr  }
0x1b: {  	s9 =	sadd.s32 $0xFFFFFEF7, lr;
	s5 =	simm.s32 $0xFFFFFFFF;
	p2 =	slt.u32 s8, $0xFFFFF086  }
0x1c: {  	p1 =	slt.u32 s9, $0xF7A;
	s5 =	simm.s32 @!p2 $0x0  }
0x1d: {  	s5 =	simm.s32 @p1 $0x1;
	p0 =	seq.s32 s7, s2  }
0x1e: {  	s7 =	smul.u32 @!p0 $0xF7A, s2;
	p2 =	seq.s32 @!p0 s5, $0x0  }
0x1f: {  	s9 =	smul.u32 $0xF7A, s1;
	s8 =	simm.s32 @!p0 $0x1BF5;
	p2 =	por !p2, p0  }
0x20: {  	[sflag:s8] =	ssyncset.s32 @!p0 $0xFFFFF086;
	s6 =	sadd.s32 @!p0 s3, s7;
	s7 =	simm.s32 @!p0 $0x108  }
0x21: {  	s3 =	sadd.s32 s3, s9;
	s6 =	sadd.s32 @!p0 $0x88, s6;
	s7 =	simm.s32 @p2 $0x1082  }
0x22: {  	[simem:s7], [sflag:s8] =	dma.local @!p0 [hbm:s6], $0xF7A  }
0x23: {  	s9 =	sor.u32 $0xD0000000, s2;
	s6 =	simm.s32 $0x108;
	_ =	swait.ge @!p0 [sflag:s8], $0x0  }
0x24: {  	s3 =	sadd.s32 $0x88, s3;
	s6 =	simm.s32 @!p1 $0x1082;
	[sflag:s4] =	ssyncset.s32 $0xFFFFF086  }
0x25: {  	[simem:s6], [sflag:s4] =	dma.local [hbm:s3], $0xF7A  }
0x26: {  	[smem:$0x3F7B] =	sst s1;
	(tag) =	ssettag s2;
	_ =	strace s9  }
0x27: {  	s1 =	sld [smem:$0x3F8B]  }
0x28: {  	s2 =	sld [smem:$0x3F8C]  }
0x29: {  	s4 =	sld [smem:$0x3F8E]  }
0x2a: {  	p0 =	seq.s32 s5, $0x0;
	s5 =	sld [smem:$0x3F8F]  }
0x2b: {  	s6 =	sld [smem:$0x3F90]  }
0x2c: {  	s7 =	sld [smem:$0x3F91]  }
0x2d: {  	s3 =	simm.s32 $0x108;
	s8 =	sld [smem:$0x3F92]  }
0x2e: {  	s3 =	simm.s32 @!p0 $0x1082;
	s9 =	sld [smem:$0x3F93]  }
0x2f: {  	lr =	sadd.s32 s0, s3;
	s0 =	sld [smem:$0x3F8A]  }
0x30: {  	s3 =	sld [smem:$0x3F8D]  }
0x31: {  	[smem:$0x3F96] =	sst s10  }
0x32: {  	s10 =	sld [smem:$0x3F94];
	_ =	sdelay $0x3  }
0x33: {  	p0 =	seq.s32 s10, $0x1;
	s10 =	sld [smem:$0x3F96];
	_ =	sdelay $0x3  }
0x34: {  	[smem:$0x3F96] =	sst s10  }
0x35: {  	s10 =	sld [smem:$0x3F95];
	_ =	sdelay $0x3  }
0x36: {  	p1 =	seq.s32 s10, $0x1;
	s10 =	sld [smem:$0x3F96];
	_ =	sdelay $0x3  }
0x37: {  	[smem:$0x3F96] =	sst s10  }
0x38: {  	s10 =	sld [smem:$0x3F97]  }
0x39: {  	_ = 	snop;
	(pc) =	sbr.ind lr, $3  }
0x3a: {  	_ = 	snop  }
0x3b: {  	_ = 	snop  }
0x3c: {  	p2 =	seq.s32 s10, $0x1;
	s10 =	sld [smem:$0x3F96]  }
0x3d: {  	_ =	shalt  }
0x3e: {  	_ =	shalt  }
0x3f: {  	_ =	shalt  }
0x40: {  	_ =	shalt  }
0x41: {  	_ =	shalt  }
0x42: {  	_ =	shalt  }
0x43: {  	_ =	shalt  }
0x44: {  	_ =	shalt  }
0x45: {  	_ =	shalt  }
0x46: {  	_ =	shalt  }
0x47: {  	_ =	shalt  }
0x48: {  	_ =	shalt  }
0x49: {  	_ =	shalt  }
0x4a: {  	_ =	shalt  }
0x4b: {  	_ =	shalt  }
0x4c: {  	_ =	shalt  }
0x4d: {  	_ =	shalt  }
0x4e: {  	_ =	shalt  }
0x4f: {  	_ =	shalt  }
0x50: {  	_ =	shalt  }
0x51: {  	_ =	shalt  }
0x52: {  	_ =	shalt  }
0x53: {  	_ =	shalt  }
0x54: {  	_ =	shalt  }
0x55: {  	_ =	shalt  }
0x56: {  	_ =	shalt  }
0x57: {  	_ =	shalt  }
0x58: {  	_ =	shalt  }
0x59: {  	_ =	shalt  }
0x5a: {  	_ =	shalt  }
0x5b: {  	_ =	shalt  }
0x5c: {  	_ =	shalt  }
0x5d: {  	_ =	shalt  }
0x5e: {  	_ =	shalt  }
0x5f: {  	_ =	shalt  }
0x60: {  	_ =	shalt  }
0x61: {  	_ =	shalt  }
0x62: {  	_ =	shalt  }
0x63: {  	_ =	shalt  }
0x64: {  	_ =	shalt  }
0x65: {  	_ =	shalt  }
0x66: {  	_ =	shalt  }
0x67: {  	_ =	shalt  }
0x68: {  	_ =	shalt  }
0x69: {  	_ =	shalt  }
0x6a: {  	_ =	shalt  }
0x6b: {  	_ =	shalt  }
0x6c: {  	_ =	shalt  }
0x6d: {  	_ =	shalt  }
0x6e: {  	_ =	shalt  }
0x6f: {  	_ =	shalt  }
0x70: {  	_ =	shalt  }
0x71: {  	_ =	shalt  }
0x72: {  	_ =	shalt  }
0x73: {  	_ =	shalt  }
0x74: {  	_ =	shalt  }
0x75: {  	_ =	shalt  }
0x76: {  	_ =	shalt  }
0x77: {  	_ =	shalt  }
0x78: {  	_ =	shalt  }
0x79: {  	_ =	shalt  }
0x7a: {  	_ =	shalt  }
0x7b: {  	_ =	shalt  }
0x7c: {  	_ =	shalt  }
0x7d: {  	_ =	shalt  }
0x7e: {  	_ =	shalt  }
0x7f: {  	_ =	shalt  }
0x80: {  	_ =	shalt  }
0x81: {  	_ =	shalt  }
0x82: {  	_ =	shalt  }
0x83: {  	_ =	shalt  }
0x84: {  	_ =	shalt  }
0x85: {  	_ =	shalt  }
0x86: {  	_ =	shalt  }
0x87: {  	_ =	shalt  }
.Lfunc_end0:
.L_simem_size_0:
called_computation_lowered:
.L_overlay_start_0:
0x88: {  	s2 =	sld [smem:$0x3FD9]  }
0x89: {  	s3 =	sld [smem:$0x3FFE];
	_ =	sdelay $0x1  }
0x8a: {  	s1 =	srdreg.scid  }
0x8b: {  	s0 =	sand.u32 $0x1, s1  }
0x8c: {  	s16 =	sshll.u32 s0, $0xA;
	s2 =	sadd.s32 s3, s2  }
0x8d: {  	s2 =	sadd.s32 s2, s16  }
0x8e: {  	[smem:$0x3FA2] =	sst s2  }
0x8f: {  	_ = 	snop  }
0x90: {  	(tm) =	ssettm $0x1  }
0x91: {  	s17 =	sld [smem:$0x3FFB];
	_ =	sdelay $0x3  }
0x92: {  	_ =	strace s17  }
0x93: {  	s2 =	sld [smem:$0x3FFC];
	_ =	sdelay $0x3  }
0x94: {  	_ =	strace s2  }
0x95: {  	s2 =	sld [smem:$0x3FFD];
	_ =	sdelay $0x3  }
0x96: {  	_ =	strace s2  }
0x97: {  	_ =	strace $0x8FFFFFFF  }
0x98: {  	s18 =	sld [smem:$0x3FDB];
	_ =	sdelay $0x1  }
0x99: {  	s19 =	simm.s32 $_scs_section_size  }
0x9a: {  	s4 =	simm.s32 $_size__tile_overlayer_lowered;
	s5 =	simm.s32 $_tile_overlayer_lowered  }
0x9b: {  	s22 =	simm.s32 $0x1BFF;
	s21 =	sshll.u32 s5, $0x1;
	s2 =	sadd.s32 s19, s18  }
0x9c: {  	s6 =	simm.s32 $0x0;
	s20 =	sshll.u32 s4, $0x1;
	s4 =	sadd.s32 s21, s2  }
0x9d: {  	[timem:s6], [sflag:s22] =	dma.local [hbm:s4], s20  }
0x9e: {  	_ =	swait.ge [sflag:s22], s20  }
0x9f: {  	s3 =	ssub.s32 $0x0, s20;
	[sflag:s22] =	ssyncset.done $0x0  }
0xa0: {  	[sflag:s22] =	ssyncadd.s32 s3;
	_ =	sdelay $0x1  }
0xa1: {  	s23 =	simm.s32 $0x1B8B  }
0xa2: {  	_ =	swait.ge [sflag:s23], $0x1  }
0xa3: {  	[sflag:s23] =	ssyncset.done $0x0  }
0xa4: {  	s25 =	simm.s32 $0x1B8E;
	s24 =	sld [smem:$0x3FFE];
	[sflag:s23] =	ssyncadd.s32 $0xFFFFFFFF  }
0xa5: {  	s26 =	simm.s32 $execute0_lowered;
	[smem:$0x3FD2] =	sst s25  }
0xa6: {  	s4 =	sshll.u32 s26, $0x1;
	_ =	strace $0x80000046;
	[dreg:$0x1] =	wrdreg $0xFFFFFFFF  }
0xa7: {  	s28 =	simm.s32 $_size_execute0_lowered;
	s2 =	sadd.s32 s2, s4;
	[dreg:$0x0] =	wrdreg $0x0  }
0xa8: {  	s4 =	sshll.u32 s28, $0x1;
	[dreg:$0x2] =	wrdreg s2  }
0xa9: {  	[dreg:$0x3] =	wrdreg s4  }
0xaa: {  	[dreg:$0x4] =	wrdreg $0xC0  }
0xab: {  	_ =	task [dreg:s6], $0x5FFFF  }
0xac: {  	[dreg:$0x1] =	wrdreg $0xFFFFFFFF  }
0xad: {  	[dreg:$0x0] =	wrdreg $0x60  }
0xae: {  	[dreg:$0x2] =	wrdreg s24  }
0xaf: {  	[dreg:$0x3] =	wrdreg $0x9  }
0xb0: {  	_ =	task.clear_ibuf [dreg:s6], $0x4FFFF;
	_ =	strace $0x90000046  }
0xb1: {  	s29 =	simm.s32 $0x9;
	_ =	strace $0x80000048  }
0xb2: {  	_ =	swait.ge [sflag:s29], $0x1  }
0xb3: {  	[sflag:s29] =	ssyncadd.s32 $0xFFFFFFFF  }
0xb4: {  	_ =	strace $0x90000048  }
0xb5: {  	_ =	sfence  }
0xb6: {  	s30 =	sld [smem:$0x0];
	_ =	sdelay $0x2  }
0xb7: {  	s31 =	sshll.u32 s1, $0xD;
	s1 =	sshrl.u32 s1, $0x2  }
0xb8: {  	s3 =	sand.u32 $0x4000, s31;
	s1 =	sadd.s32 s1, s30  }
0xb9: {  	s0 =	sor.u32 s3, s0;
	s1 =	sshll.u32 s1, $0x11  }
0xba: {  	s0 =	sor.u32 s1, s0  }
0xbb: {  	s0 =	sadd.s32 $0x8F2B, s0  }
0xbc: {  	[sflag:s0] =	ssyncadd.remote.s32 $0x1  }
0xbd: {  	_ =	sfence.sel $0xFFFF  }
0xbe: {  	[dreg:$0x0] =	wrdreg $0xFFFFFFFF;
	(pc) =	sbr.abs _section_cstart, $3  }
0xbf: {  	[dreg:$0x1] =	wrdreg $0xFFFFFFFF  }
0xc0: {  	_ =	task.clear_ibuf [dreg:s6], $0x2FFFF;
	_ =	strace $0x9FFFFFFF  }
0xc1: {  	(tm) =	ssettm $0x7FFFFFFF  }
tec
execute0_lowered:
.L_overlay_start_1:
0x0: {  	(tag) =	ssettag $0x1  }
0x1: {  	s8 =	rddreg [dreg:$0x0]  }
0x2: {  	s0 =	rddreg [dreg:$0x1];
	s1 =	simm.s32 $0x0;
	s5 =	srdreg.scid  }
0x3: {  	s12 =	simm.s32 $0x100;
	s13 =	simm.s32 $0xC8;
	s14 =	simm.s32 $0x200  }
0x4: {  	s15 =	simm.s32 $0x6600;
	s16 =	simm.s32 $0xCA00;
	s17 =	simm.s32 $0x1  }
0x5: {  	s18 =	simm.s32 $0x2;
	s19 =	simm.s32 $0x3;
	s20 =	simm.s32 $0x0  }
0x6: {  	[smem:$0x7FF] =	sst s1;
	s2 =	sadd.s32 $0x31400, s8;
	s3 =	sadd.s32 $0xA200, s8  }
0x7: {  	s4 =	sadd.s32 $0x50BC00, s8;
	s9 =	sand.u32 $0x1, s5;
	s6 =	sadd.s32 $0x4F6000, s8  }
0x8: {  	s7 =	sadd.s32 $0x4EC200, s8;
	s5 =	stileid.u32;
	s10 =	ssub.s32 $0x2, s9  }
0x9: {  	s8 =	sadd.s32 $0x13B1C00, s8;
	s9 =	sshll.u32 s9, $0x4;
	s11 =	sshrl.u32 s10, $0x1  }
0xa: {  	_ =	strace $0x80000047;
	s9 =	sor.u32 s5, s9;
	s10 =	ssub.s32 s10, s11  }
0xb: {  	s9 =	smul.u32 $0x2710, s9;
	s11 =	simm.s32 $0x4;
	s10 =	smax.u32 s10, $0x1  }
.LBB2_1:
0xc: {  	s21 =	simm.s32 $0x0  }
.LBB2_2:
0xd: {  	s22 =	smul.u32 $0xC8, s21;
	_ =	sdelay $0x1  }
0xe: {  	s22 =	sadd.s32 s9, s22  }
0xf: {  	s23 =	sshrl.u32 s22, $0x3  }
0x10: {  	s25 =	simm.s32 $0x0;
	s24 =	sadd.s32 s6, s23  }
0x11: {  	[tilespmem:s25], [sflag:$0x4] =	stream.linear.gather [hbm4b:s24+s25], $0xC8, $0x38;
	[tilespmem:$0x12E00] =	vst v63  }
0x12: {  	_ =	swait.ge [sflag:s11], $0xC8  }
0x13: {  	[sflag:s11] =	ssyncset.done $0x0  }
0x14: {  	s23 =	sadd.s32 s7, s23;
	[sflag:s11] =	ssyncadd.s32 $0xFFFFFF38  }
0x15: {  	[tilespmem:s12], [sflag:$0x4] =	stream.linear.gather [hbm4b:s23+s25], $0xC8, $0x38;
	[tilespmem:$0x12E00] =	vst v63  }
0x16: {  	_ =	swait.ge [sflag:s11], $0xC8  }
0x17: {  	[sflag:s11] =	ssyncset.done $0x0  }
0x18: {  	[sflag:s11] =	ssyncadd.s32 $0xFFFFFF38  }
0x19: {  	[tilespmem:s14], [sflag:$0x1] =	stream.indirect.gather [hbm4b:s2+s13], $0x80, s25, s13, $0xb8;
	[tilespmem:$0x12E00] =	vst v63  }
0x1a: {  	s22 =	sshll.u32 s22, $0x4  }
0x1b: {  	[tilespmem:s15], [sflag:$0x2] =	stream.indirect.gather [hbm4b:s3+s13], $0x80, s12, s13, $0xb8;
	[tilespmem:$0x12E00] =	vst v63  }
0x1c: {  	s31 =	sadd.s32 s4, s22  }
0x1d: {  	[tilespmem:s16], [sflag:$0x3] =	stream.linear.gather [hbm4b:s31+s25], $0x6400, $0x38;
	[tilespmem:$0x12E00] =	vst v63  }
0x1e: {  	_ =	swait.ge [sflag:s17], $0x6400  }
0x1f: {  	[sflag:s17] =	ssyncset.done $0x0  }
0x20: {  	[sflag:s17] =	ssyncadd.s32 $0xFFFF9C00  }
0x21: {  	_ =	swait.ge [sflag:s18], $0x6400  }
0x22: {  	[sflag:s18] =	ssyncset.done $0x0  }
0x23: {  	[sflag:s18] =	ssyncadd.s32 $0xFFFF9C00  }
0x24: {  	_ =	swait.ge [sflag:s19], $0x6400  }
0x25: {  	[sflag:s19] =	ssyncset.done $0x0  }
0x26: {  	s23 =	simm.s32 $0x0;
	[sflag:s19] =	ssyncadd.s32 $0xFFFF9C00  }
0x27: {  	v4 =	vld [tilespmem:s23+$0xCA00]  }
0x28: {  	v5 =	vld [tilespmem:s23+$0xCA10]  }
0x29: {  	v3 =	vld [tilespmem:s23+$0xCA20]  }
0x2a: {  	v2 =	vld [tilespmem:s23+$0xCA30]  }
0x2b: {  	v1 =	vld [tilespmem:s23+$0xCA40]  }
0x2c: {  	v0 =	vld [tilespmem:s23+$0xCA50]  }
0x2d: {  	v12 =	vld [tilespmem:s23+$0x6600]  }
0x2e: {  	v17 =	vld [tilespmem:s23+$0x6610]  }
0x2f: {  	v11 =	vld [tilespmem:s23+$0x6620]  }
0x30: {  	v10 =	vld [tilespmem:s23+$0x6630]  }
0x31: {  	v9 =	vld [tilespmem:s23+$0x6640]  }
0x32: {  	v8 =	vld [tilespmem:s23+$0x6650]  }
0x33: {  	v7 =	vld [tilespmem:s23+$0x6660]  }
0x34: {  	v6 =	vld [tilespmem:s23+$0x6670]  }
0x35: {  	v18 =	vld [tilespmem:s23+$0x200]  }
0x36: {  	v19 =	vld [tilespmem:s23+$0x210]  }
0x37: {  	v16 =	vld [tilespmem:s23+$0x220]  }
0x38: {  	v15 =	vld [tilespmem:s23+$0x230]  }
0x39: {  	v14 =	vld [tilespmem:s23+$0x240]  }
0x3a: {  	v13 =	vld [tilespmem:s23+$0x250];
	v18 =	vadd.f32 v12, v18  }
0x3b: {  	s24 =	simm.s32 $0x200;
	v17 =	vadd.f32 v17, v19;
	v12 =	vld [tilespmem:s23+$0x260]  }
.LBB2_3:
0x3c: {  	p0 =	sne.s32 s24, $0x18E00;
	v4 =	vadd.f32 v4, v18;
	v11 =	vadd.f32 v11, v16;
	v16 =	vld [tilespmem:s23+$0x270]  }
0x3d: {  	v5 =	vadd.f32 v5, v17;
	v10 =	vadd.f32 v10, v15;
	v15 =	vld [tilespmem:s23+$0xCA60]  }
0x3e: {  	s25 =	sshra.s32 s24, $0x2;
	v17 =	vmax.f32 v4, $0.0e+00;
	v3 =	vadd.f32 v3, v11;
	v9 =	vadd.f32 v9, v14;
	v11 =	vld [tilespmem:s23+$0xCA70]  }
0x3f: {  	v4 =	vld [tilespmem:s25+$0xCA00];
	[tilespmem:s23+$0x200] =	vst v17;
	v14 =	vmax.f32 v5, $0.0e+00;
	v2 =	vadd.f32 v2, v10;
	v8 =	vadd.f32 v8, v13  }
0x40: {  	v5 =	vld [tilespmem:s25+$0xCA10];
	[tilespmem:s23+$0x210] =	vst v14;
	v10 =	vmax.f32 v3, $0.0e+00;
	v1 =	vadd.f32 v1, v9;
	v7 =	vadd.f32 v7, v12  }
0x41: {  	v3 =	vld [tilespmem:s25+$0xCA20];
	[tilespmem:s23+$0x220] =	vst v10;
	v9 =	vmax.f32 v2, $0.0e+00;
	v0 =	vadd.f32 v0, v8;
	v6 =	vadd.f32 v6, v16  }
0x42: {  	v2 =	vld [tilespmem:s25+$0xCA30];
	[tilespmem:s23+$0x230] =	vst v9;
	v8 =	vmax.f32 v1, $0.0e+00;
	v7 =	vadd.f32 v15, v7  }
0x43: {  	v1 =	vld [tilespmem:s25+$0xCA40];
	[tilespmem:s23+$0x240] =	vst v8;
	v8 =	vmax.f32 v0, $0.0e+00;
	v6 =	vadd.f32 v11, v6  }
0x44: {  	v0 =	vld [tilespmem:s25+$0xCA50];
	[tilespmem:s23+$0x250] =	vst v8;
	v7 =	vmax.f32 v7, $0.0e+00  }
0x45: {  	v12 =	vld [tilespmem:s25+$0x6600];
	[tilespmem:s23+$0x260] =	vst v7;
	v6 =	vmax.f32 v6, $0.0e+00  }
0x46: {  	v17 =	vld [tilespmem:s25+$0x6610];
	[tilespmem:s23+$0x270] =	vst v6;
	s23 =	smov.u32 s25  }
0x47: {  	v11 =	vld [tilespmem:s23+$0x6620]  }
0x48: {  	v10 =	vld [tilespmem:s23+$0x6630]  }
0x49: {  	v9 =	vld [tilespmem:s23+$0x6640]  }
0x4a: {  	v8 =	vld [tilespmem:s23+$0x6650]  }
0x4b: {  	v7 =	vld [tilespmem:s23+$0x6660]  }
0x4c: {  	v6 =	vld [tilespmem:s23+$0x6670]  }
0x4d: {  	v13 =	vld [tilespmem:s23+$0x200]  }
0x4e: {  	v19 =	vld [tilespmem:s23+$0x210]  }
.Ltmp0:
0x4f: {  	v16 =	vld [tilespmem:s23+$0x220];
	(pc) =	sbr.rel @p0 .LBB2_3-.Ltmp0, $4  }
0x50: {  	v15 =	vld [tilespmem:s23+$0x230]  }
0x51: {  	v14 =	vld [tilespmem:s23+$0x240]  }
0x52: {  	v18 =	vadd.f32 v12, v13;
	v13 =	vld [tilespmem:s23+$0x250]  }
0x53: {  	s24 =	sadd.s32 $0x200, s24;
	v17 =	vadd.f32 v17, v19;
	v12 =	vld [tilespmem:s23+$0x260]  }
0x54: {  	v4 =	vadd.f32 v4, v18;
	v11 =	vadd.f32 v11, v16;
	v53 =	vld [tilespmem:s23+$0x270]  }
0x55: {  	v54 =	vld [tilespmem:s23+$0xCA60];
	v5 =	vadd.f32 v5, v17;
	v10 =	vadd.f32 v10, v15  }
0x56: {  	v55 =	vld [tilespmem:s23+$0xCA70];
	v4 =	vmax.f32 v4, $0.0e+00;
	v3 =	vadd.f32 v3, v11;
	v9 =	vadd.f32 v9, v14  }
0x57: {  	[tilespmem:s23+$0x200] =	vst v4;
	v56 =	vmax.f32 v5, $0.0e+00;
	v2 =	vadd.f32 v2, v10;
	v57 =	vadd.f32 v8, v13  }
0x58: {  	[tilespmem:s23+$0x210] =	vst v56;
	v3 =	vmax.f32 v3, $0.0e+00;
	v1 =	vadd.f32 v1, v9;
	v58 =	vadd.f32 v7, v12  }
0x59: {  	[tilespmem:s23+$0x220] =	vst v3;
	v2 =	vmax.f32 v2, $0.0e+00;
	v0 =	vadd.f32 v0, v57;
	v59 =	vadd.f32 v6, v53  }
0x5a: {  	[tilespmem:s23+$0x230] =	vst v2;
	v1 =	vmax.f32 v1, $0.0e+00;
	v60 =	vadd.f32 v54, v58  }
0x5b: {  	[tilespmem:s23+$0x240] =	vst v1;
	v0 =	vmax.f32 v0, $0.0e+00;
	v61 =	vadd.f32 v55, v59  }
0x5c: {  	s21 =	sadd.s32 $0x1, s21;
	[tilespmem:s23+$0x250] =	vst v0;
	v62 =	vmax.f32 v60, $0.0e+00  }
0x5d: {  	p0 =	sne.s32 s21, $0x32;
	[tilespmem:s23+$0x260] =	vst v62;
	v63 =	vmax.f32 v61, $0.0e+00  }
.Ltmp1:
0x5e: {  	s22 =	sadd.s32 s8, s22;
	[tilespmem:s23+$0x270] =	vst v63;
	(pc) =	sbr.rel @p0 .LBB2_2-.Ltmp1, $4  }
0x5f: {  	[hbm4b:s22+s1] =	stream.linear.scatter [tilespmem:s14], [sflag:$0x4], $0x6400, $0x38;
	[tilespmem:$0x12E00] =	vst v63  }
0x60: {  	_ =	swait.ge [sflag:s11], $0x6400  }
0x61: {  	[sflag:s11] =	ssyncset.done $0x0  }
0x62: {  	[sflag:s11] =	ssyncadd.s32 $0xFFFF9C00  }
0x63: {  	s20 =	sadd.s32 $0x1, s20  }
0x64: {  	p0 =	sne.s32 s20, s10  }
.Ltmp2:
0x65: {  	_ = 	snop;
	(pc) =	sbr.rel @p0 .LBB2_1-.Ltmp2, $1  }
0x66: {  	_ =	sdelay $0x3  }
0x67: {  	_ =	sfence.sel $0x180000  }
0x68: {  	[bflag:$0x0] =	sbarrier.arrive $0xFFFF  }
0x69: {  	p0 =	sne.s32 s5, $0x0;
	_ =	strace $0x90000047  }
0x6a: {  	s0 =	sadd.s32 @!p0 $0x100000, s0;
	[bflag:$0x2] =	sbarrier.arrive $0xFFFF  }
0x6b: {  	[sflag:s0] =	ssyncadd.tile.s32 @!p0 $0x1;
	_ =	shalt  }
.Lfunc_end2:
_tile_overlayer_lowered:
.L_overlay_start_2:
0x6c: {  	(tag) =	ssettag $0x2  }
0x6d: {  	s0 =	rddreg [dreg:$0x0];
	s2 =	stileid.u32  }
0x6e: {  	s1 =	rddreg [dreg:$0x1];
	p0 =	sne.s32 s2, $0x0  }
0x6f: {  	s3 =	rddreg [dreg:$0x2];
	[bflag:$0x3] =	sbarrier.arrive $0xFFFF;
	s2 =	simm.s32 @!p0 $0x1C04  }
0x70: {  	[timem:s3], [sflag:s2] =	dma.local @!p0 [hbm:s0], s1  }
0x71: {  	s0 =	simm.s32 @!p0 $0x4  }
0x72: {  	_ =	swait.ge @!p0 [sflag:s0], s1  }
0x73: {  	s1 =	ssub.s32 @!p0 $0x0, s1;
	[sflag:s0] =	ssyncset.done @!p0 $0x0  }
0x74: {  	[sflag:s0] =	ssyncadd.s32 @!p0 s1  }
0x75: {  	[bflag:$0x3] =	sbarrier.arrive $0xFFFF  }
0x76: {  	_ =	shalt  }

// kernel: kernel.17.cloned.1.call-start
scs
__scs_entry_jumppad:
0x0: {  	(pc) =	sbr.rel $0x88, $3  }
0x1: {  	(tag) =	ssettag $0x0;
	lr =	simm.s32 $0x1  }
0x2: {  	[smem:$0x3F7B] =	sst lr;
	_ =	strace $0xD0000000  }
0x3: {  	_ = 	snop  }
0x4: {  	_ = 	snop  }
0x5: {  	_ = 	snop  }
0x6: {  	_ = 	snop  }
0x7: {  	_ = 	snop  }
__scs_overlays_trampoline_lowered:
0x8: {  	[smem:$0x3F8A] =	sst s0  }
0x9: {  	[smem:$0x3F8B] =	sst s1  }
0xa: {  	[smem:$0x3F8C] =	sst s2  }
0xb: {  	[smem:$0x3F8D] =	sst s3  }
0xc: {  	[smem:$0x3F8E] =	sst s4  }
0xd: {  	[smem:$0x3F8F] =	sst s5  }
0xe: {  	[smem:$0x3F90] =	sst s6  }
0xf: {  	[smem:$0x3F91] =	sst s7  }
0x10: {  	[smem:$0x3F92] =	sst s8  }
0x11: {  	[smem:$0x3F93] =	sst s9;
	s0 =	simm.s32 @!p0 $0x0  }
0x12: {  	s1 =	sld [smem:$0x3F79];
	s0 =	simm.s32 @p0 $0x1  }
0x13: {  	[smem:$0x3F94] =	sst s0;
	s0 =	simm.s32 @!p1 $0x0  }
0x14: {  	s2 =	sld [smem:$0x3F78];
	s0 =	simm.s32 @p1 $0x1  }
0x15: {  	[smem:$0x3F95] =	sst s0;
	s0 =	simm.s32 @!p2 $0x0  }
0x16: {  	s3 =	sld [smem:$0x3FDB];
	s0 =	simm.s32 @p2 $0x1  }
0x17: {  	s4 =	simm.s32 $0x1BF5;
	[smem:$0x3F97] =	sst s0  }
0x18: {  	s0 =	sld [smem:$0x3F7A];
	_ =	swait.ge [sflag:s4], $0x0  }
0x19: {  	s7 =	sld [smem:$0x3F7B]  }
0x1a: {  	s8 =	sadd.s32 $0xFFFFE003, lr  }
0x1b: {  	s9 =	sadd.s32 $0xFFFFFEF7, lr;
	s5 =	simm.s32 $0xFFFFFFFF;
	p2 =	slt.u32 s8, $0xFFFFF086  }
0x1c: {  	p1 =	slt.u32 s9, $0xF7A;
	s5 =	simm.s32 @!p2 $0x0  }
0x1d: {  	s5 =	simm.s32 @p1 $0x1;
	p0 =	seq.s32 s7, s2  }
0x1e: {  	s7 =	smul.u32 @!p0 $0xF7A, s2;
	p2 =	seq.s32 @!p0 s5, $0x0  }
0x1f: {  	s9 =	smul.u32 $0xF7A, s1;
	s8 =	simm.s32 @!p0 $0x1BF5;
	p2 =	por !p2, p0  }
0x20: {  	[sflag:s8] =	ssyncset.s32 @!p0 $0xFFFFF086;
	s6 =	sadd.s32 @!p0 s3, s7;
	s7 =	simm.s32 @!p0 $0x108  }
0x21: {  	s3 =	sadd.s32 s3, s9;
	s6 =	sadd.s32 @!p0 $0x88, s6;
	s7 =	simm.s32 @p2 $0x1082  }
0x22: {  	[simem:s7], [sflag:s8] =	dma.local @!p0 [hbm:s6], $0xF7A  }
0x23: {  	s9 =	sor.u32 $0xD0000000, s2;
	s6 =	simm.s32 $0x108;
	_ =	swait.ge @!p0 [sflag:s8], $0x0  }
0x24: {  	s3 =	sadd.s32 $0x88, s3;
	s6 =	simm.s32 @!p1 $0x1082;
	[sflag:s4] =	ssyncset.s32 $0xFFFFF086  }
0x25: {  	[simem:s6], [sflag:s4] =	dma.local [hbm:s3], $0xF7A  }
0x26: {  	[smem:$0x3F7B] =	sst s1;
	(tag) =	ssettag s2;
	_ =	strace s9  }
0x27: {  	s1 =	sld [smem:$0x3F8B]  }
0x28: {  	s2 =	sld [smem:$0x3F8C]  }
0x29: {  	s4 =	sld [smem:$0x3F8E]  }
0x2a: {  	p0 =	seq.s32 s5, $0x0;
	s5 =	sld [smem:$0x3F8F]  }
0x2b: {  	s6 =	sld [smem:$0x3F90]  }
0x2c: {  	s7 =	sld [smem:$0x3F91]  }
0x2d: {  	s3 =	simm.s32 $0x108;
	s8 =	sld [smem:$0x3F92]  }
0x2e: {  	s3 =	simm.s32 @!p0 $0x1082;
	s9 =	sld [smem:$0x3F93]  }
0x2f: {  	lr =	sadd.s32 s0, s3;
	s0 =	sld [smem:$0x3F8A]  }
0x30: {  	s3 =	sld [smem:$0x3F8D]  }
0x31: {  	[smem:$0x3F96] =	sst s10  }
0x32: {  	s10 =	sld [smem:$0x3F94];
	_ =	sdelay $0x3  }
0x33: {  	p0 =	seq.s32 s10, $0x1;
	s10 =	sld [smem:$0x3F96];
	_ =	sdelay $0x3  }
0x34: {  	[smem:$0x3F96] =	sst s10  }
0x35: {  	s10 =	sld [smem:$0x3F95];
	_ =	sdelay $0x3  }
0x36: {  	p1 =	seq.s32 s10, $0x1;
	s10 =	sld [smem:$0x3F96];
	_ =	sdelay $0x3  }
0x37: {  	[smem:$0x3F96] =	sst s10  }
0x38: {  	s10 =	sld [smem:$0x3F97]  }
0x39: {  	_ = 	snop;
	(pc) =	sbr.ind lr, $3  }
0x3a: {  	_ = 	snop  }
0x3b: {  	_ = 	snop  }
0x3c: {  	p2 =	seq.s32 s10, $0x1;
	s10 =	sld [smem:$0x3F96]  }
0x3d: {  	_ =	shalt  }
0x3e: {  	_ =	shalt  }
0x3f: {  	_ =	shalt  }
0x40: {  	_ =	shalt  }
0x41: {  	_ =	shalt  }
0x42: {  	_ =	shalt  }
0x43: {  	_ =	shalt  }
0x44: {  	_ =	shalt  }
0x45: {  	_ =	shalt  }
0x46: {  	_ =	shalt  }
0x47: {  	_ =	shalt  }
0x48: {  	_ =	shalt  }
0x49: {  	_ =	shalt  }
0x4a: {  	_ =	shalt  }
0x4b: {  	_ =	shalt  }
0x4c: {  	_ =	shalt  }
0x4d: {  	_ =	shalt  }
0x4e: {  	_ =	shalt  }
0x4f: {  	_ =	shalt  }
0x50: {  	_ =	shalt  }
0x51: {  	_ =	shalt  }
0x52: {  	_ =	shalt  }
0x53: {  	_ =	shalt  }
0x54: {  	_ =	shalt  }
0x55: {  	_ =	shalt  }
0x56: {  	_ =	shalt  }
0x57: {  	_ =	shalt  }
0x58: {  	_ =	shalt  }
0x59: {  	_ =	shalt  }
0x5a: {  	_ =	shalt  }
0x5b: {  	_ =	shalt  }
0x5c: {  	_ =	shalt  }
0x5d: {  	_ =	shalt  }
0x5e: {  	_ =	shalt  }
0x5f: {  	_ =	shalt  }
0x60: {  	_ =	shalt  }
0x61: {  	_ =	shalt  }
0x62: {  	_ =	shalt  }
0x63: {  	_ =	shalt  }
0x64: {  	_ =	shalt  }
0x65: {  	_ =	shalt  }
0x66: {  	_ =	shalt  }
0x67: {  	_ =	shalt  }
0x68: {  	_ =	shalt  }
0x69: {  	_ =	shalt  }
0x6a: {  	_ =	shalt  }
0x6b: {  	_ =	shalt  }
0x6c: {  	_ =	shalt  }
0x6d: {  	_ =	shalt  }
0x6e: {  	_ =	shalt  }
0x6f: {  	_ =	shalt  }
0x70: {  	_ =	shalt  }
0x71: {  	_ =	shalt  }
0x72: {  	_ =	shalt  }
0x73: {  	_ =	shalt  }
0x74: {  	_ =	shalt  }
0x75: {  	_ =	shalt  }
0x76: {  	_ =	shalt  }
0x77: {  	_ =	shalt  }
0x78: {  	_ =	shalt  }
0x79: {  	_ =	shalt  }
0x7a: {  	_ =	shalt  }
0x7b: {  	_ =	shalt  }
0x7c: {  	_ =	shalt  }
0x7d: {  	_ =	shalt  }
0x7e: {  	_ =	shalt  }
0x7f: {  	_ =	shalt  }
0x80: {  	_ =	shalt  }
0x81: {  	_ =	shalt  }
0x82: {  	_ =	shalt  }
0x83: {  	_ =	shalt  }
0x84: {  	_ =	shalt  }
0x85: {  	_ =	shalt  }
0x86: {  	_ =	shalt  }
0x87: {  	_ =	shalt  }
.Lfunc_end0:
.L_simem_size_0:
called_computation.1_lowered:
.L_overlay_start_0:
0x88: {  	s2 =	sld [smem:$0x3FD9]  }
0x89: {  	s3 =	sld [smem:$0x3FFE];
	_ =	sdelay $0x1  }
0x8a: {  	s1 =	srdreg.scid  }
0x8b: {  	s0 =	sand.u32 $0x1, s1  }
0x8c: {  	s16 =	sshll.u32 s0, $0xA;
	s2 =	sadd.s32 s3, s2  }
0x8d: {  	s2 =	sadd.s32 s2, s16  }
0x8e: {  	[smem:$0x3FA2] =	sst s2  }
0x8f: {  	_ = 	snop  }
0x90: {  	(tm) =	ssettm $0x1  }
0x91: {  	s17 =	sld [smem:$0x3FFB];
	_ =	sdelay $0x3  }
0x92: {  	_ =	strace s17  }
0x93: {  	s2 =	sld [smem:$0x3FFC];
	_ =	sdelay $0x3  }
0x94: {  	_ =	strace s2  }
0x95: {  	s2 =	sld [smem:$0x3FFD];
	_ =	sdelay $0x3  }
0x96: {  	_ =	strace s2  }
0x97: {  	_ =	strace $0x8FFFFFFF  }
0x98: {  	s18 =	sld [smem:$0x3FDB];
	_ =	sdelay $0x1  }
0x99: {  	s19 =	simm.s32 $_scs_section_size  }
0x9a: {  	s4 =	simm.s32 $_size__tile_overlayer_lowered;
	s5 =	simm.s32 $_tile_overlayer_lowered  }
0x9b: {  	s22 =	simm.s32 $0x1BFF;
	s21 =	sshll.u32 s5, $0x1;
	s2 =	sadd.s32 s19, s18  }
0x9c: {  	s6 =	simm.s32 $0x0;
	s20 =	sshll.u32 s4, $0x1;
	s4 =	sadd.s32 s21, s2  }
0x9d: {  	[timem:s6], [sflag:s22] =	dma.local [hbm:s4], s20  }
0x9e: {  	_ =	swait.ge [sflag:s22], s20  }
0x9f: {  	s3 =	ssub.s32 $0x0, s20;
	[sflag:s22] =	ssyncset.done $0x0  }
0xa0: {  	[sflag:s22] =	ssyncadd.s32 s3;
	_ =	sdelay $0x1  }
0xa1: {  	s23 =	simm.s32 $0x1B8B  }
0xa2: {  	_ =	swait.ge [sflag:s23], $0x1  }
0xa3: {  	[sflag:s23] =	ssyncset.done $0x0  }
0xa4: {  	s25 =	simm.s32 $0x1B8E;
	s24 =	sld [smem:$0x3FFE];
	[sflag:s23] =	ssyncadd.s32 $0xFFFFFFFF  }
0xa5: {  	s26 =	simm.s32 $execute0_lowered;
	[smem:$0x3FD2] =	sst s25  }
0xa6: {  	s4 =	sshll.u32 s26, $0x1;
	_ =	strace $0x80000049;
	[dreg:$0x1] =	wrdreg $0xFFFFFFFF  }
0xa7: {  	s28 =	simm.s32 $_size_execute0_lowered;
	s2 =	sadd.s32 s2, s4;
	[dreg:$0x0] =	wrdreg $0x0  }
0xa8: {  	s4 =	sshll.u32 s28, $0x1;
	[dreg:$0x2] =	wrdreg s2  }
0xa9: {  	[dreg:$0x3] =	wrdreg s4  }
0xaa: {  	[dreg:$0x4] =	wrdreg $0xC0  }
0xab: {  	_ =	task [dreg:s6], $0x5FFFF  }
0xac: {  	[dreg:$0x1] =	wrdreg $0xFFFFFFFF  }
0xad: {  	[dreg:$0x0] =	wrdreg $0x60  }
0xae: {  	[dreg:$0x2] =	wrdreg s24  }
0xaf: {  	[dreg:$0x3] =	wrdreg $0x9  }
0xb0: {  	_ =	task.clear_ibuf [dreg:s6], $0x4FFFF;
	_ =	strace $0x90000049  }
0xb1: {  	s29 =	simm.s32 $0x9;
	_ =	strace $0x8000004B  }
0xb2: {  	_ =	swait.ge [sflag:s29], $0x1  }
0xb3: {  	[sflag:s29] =	ssyncadd.s32 $0xFFFFFFFF  }
0xb4: {  	_ =	strace $0x9000004B  }
0xb5: {  	_ =	sfence  }
0xb6: {  	s30 =	sld [smem:$0x0];
	_ =	sdelay $0x2  }
0xb7: {  	s31 =	sshll.u32 s1, $0xD;
	s1 =	sshrl.u32 s1, $0x2  }
0xb8: {  	s3 =	sand.u32 $0x4000, s31;
	s1 =	sadd.s32 s1, s30  }
0xb9: {  	s0 =	sor.u32 s3, s0;
	s1 =	sshll.u32 s1, $0x11  }
0xba: {  	s0 =	sor.u32 s1, s0  }
0xbb: {  	s0 =	sadd.s32 $0x8F2B, s0  }
0xbc: {  	[sflag:s0] =	ssyncadd.remote.s32 $0x1  }
0xbd: {  	_ =	sfence.sel $0xFFFF  }
0xbe: {  	[dreg:$0x0] =	wrdreg $0xFFFFFFFF;
	(pc) =	sbr.abs _section_cstart, $3  }
0xbf: {  	[dreg:$0x1] =	wrdreg $0xFFFFFFFF  }
0xc0: {  	_ =	task.clear_ibuf [dreg:s6], $0x2FFFF;
	_ =	strace $0x9FFFFFFF  }
0xc1: {  	(tm) =	ssettm $0x7FFFFFFF  }
tec
execute0_lowered:
.L_overlay_start_1:
0x0: {  	(tag) =	ssettag $0x1  }
0x1: {  	s8 =	rddreg [dreg:$0x0]  }
0x2: {  	s0 =	rddreg [dreg:$0x1];
	s1 =	simm.s32 $0x0;
	s5 =	srdreg.scid  }
0x3: {  	s12 =	simm.s32 $0x100;
	s13 =	simm.s32 $0xC8;
	s14 =	simm.s32 $0x200  }
0x4: {  	s15 =	simm.s32 $0x6600;
	s16 =	simm.s32 $0xCA00;
	s17 =	simm.s32 $0x1  }
0x5: {  	s18 =	simm.s32 $0x2;
	s19 =	simm.s32 $0x3;
	s20 =	simm.s32 $0x0  }
0x6: {  	[smem:$0x7FF] =	sst s1;
	s2 =	sadd.s32 $0x58600, s8;
	s3 =	sadd.s32 $0x31400, s8  }
0x7: {  	s4 =	sadd.s32 $0x9EDC00, s8;
	s9 =	sand.u32 $0x1, s5;
	s6 =	sadd.s32 $0x4F6000, s8  }
0x8: {  	s7 =	sadd.s32 $0x4EC200, s8;
	s5 =	stileid.u32;
	s10 =	ssub.s32 $0x2, s9  }
0x9: {  	s8 =	sadd.s32 $0x50BC00, s8;
	s9 =	sshll.u32 s9, $0x4;
	s11 =	sshrl.u32 s10, $0x1  }
0xa: {  	_ =	strace $0x8000004A;
	s9 =	sor.u32 s5, s9;
	s10 =	ssub.s32 s10, s11  }
0xb: {  	s9 =	smul.u32 $0x2710, s9;
	s11 =	simm.s32 $0x4;
	s10 =	smax.u32 s10, $0x1  }
.LBB2_1:
0xc: {  	s21 =	simm.s32 $0x0  }
.LBB2_2:
0xd: {  	s22 =	smul.u32 $0xC8, s21;
	_ =	sdelay $0x1  }
0xe: {  	s22 =	sadd.s32 s9, s22  }
0xf: {  	s23 =	sshrl.u32 s22, $0x3  }
0x10: {  	s25 =	simm.s32 $0x0;
	s24 =	sadd.s32 s6, s23  }
0x11: {  	[tilespmem:s25], [sflag:$0x4] =	stream.linear.gather [hbm4b:s24+s25], $0xC8, $0x38;
	[tilespmem:$0x12E00] =	vst v63  }
0x12: {  	_ =	swait.ge [sflag:s11], $0xC8  }
0x13: {  	[sflag:s11] =	ssyncset.done $0x0  }
0x14: {  	s23 =	sadd.s32 s7, s23;
	[sflag:s11] =	ssyncadd.s32 $0xFFFFFF38  }
0x15: {  	[tilespmem:s12], [sflag:$0x4] =	stream.linear.gather [hbm4b:s23+s25], $0xC8, $0x38;
	[tilespmem:$0x12E00] =	vst v63  }
0x16: {  	_ =	swait.ge [sflag:s11], $0xC8  }
0x17: {  	[sflag:s11] =	ssyncset.done $0x0  }
0x18: {  	[sflag:s11] =	ssyncadd.s32 $0xFFFFFF38  }
0x19: {  	[tilespmem:s14], [sflag:$0x1] =	stream.indirect.gather [hbm4b:s2+s13], $0x80, s25, s13, $0xb8;
	[tilespmem:$0x12E00] =	vst v63  }
0x1a: {  	s22 =	sshll.u32 s22, $0x4  }
0x1b: {  	[tilespmem:s15], [sflag:$0x2] =	stream.indirect.gather [hbm4b:s3+s13], $0x80, s12, s13, $0xb8;
	[tilespmem:$0x12E00] =	vst v63  }
0x1c: {  	s31 =	sadd.s32 s4, s22  }
0x1d: {  	[tilespmem:s16], [sflag:$0x3] =	stream.linear.gather [hbm4b:s31+s25], $0x6400, $0x38;
	[tilespmem:$0x12E00] =	vst v63  }
0x1e: {  	_ =	swait.ge [sflag:s17], $0x6400  }
0x1f: {  	[sflag:s17] =	ssyncset.done $0x0  }
0x20: {  	[sflag:s17] =	ssyncadd.s32 $0xFFFF9C00  }
0x21: {  	_ =	swait.ge [sflag:s18], $0x6400  }
0x22: {  	[sflag:s18] =	ssyncset.done $0x0  }
0x23: {  	[sflag:s18] =	ssyncadd.s32 $0xFFFF9C00  }
0x24: {  	_ =	swait.ge [sflag:s19], $0x6400  }
0x25: {  	[sflag:s19] =	ssyncset.done $0x0  }
0x26: {  	s23 =	simm.s32 $0x0;
	[sflag:s19] =	ssyncadd.s32 $0xFFFF9C00  }
0x27: {  	v4 =	vld [tilespmem:s23+$0xCA00]  }
0x28: {  	v5 =	vld [tilespmem:s23+$0xCA10]  }
0x29: {  	v3 =	vld [tilespmem:s23+$0xCA20]  }
0x2a: {  	v2 =	vld [tilespmem:s23+$0xCA30]  }
0x2b: {  	v1 =	vld [tilespmem:s23+$0xCA40]  }
0x2c: {  	v0 =	vld [tilespmem:s23+$0xCA50]  }
0x2d: {  	v12 =	vld [tilespmem:s23+$0x6600]  }
0x2e: {  	v17 =	vld [tilespmem:s23+$0x6610]  }
0x2f: {  	v11 =	vld [tilespmem:s23+$0x6620]  }
0x30: {  	v10 =	vld [tilespmem:s23+$0x6630]  }
0x31: {  	v9 =	vld [tilespmem:s23+$0x6640]  }
0x32: {  	v8 =	vld [tilespmem:s23+$0x6650]  }
0x33: {  	v7 =	vld [tilespmem:s23+$0x6660]  }
0x34: {  	v6 =	vld [tilespmem:s23+$0x6670]  }
0x35: {  	v18 =	vld [tilespmem:s23+$0x200]  }
0x36: {  	v19 =	vld [tilespmem:s23+$0x210]  }
0x37: {  	v16 =	vld [tilespmem:s23+$0x220]  }
0x38: {  	v15 =	vld [tilespmem:s23+$0x230]  }
0x39: {  	v14 =	vld [tilespmem:s23+$0x240]  }
0x3a: {  	v13 =	vld [tilespmem:s23+$0x250];
	v18 =	vadd.f32 v12, v18  }
0x3b: {  	s24 =	simm.s32 $0x200;
	v17 =	vadd.f32 v17, v19;
	v12 =	vld [tilespmem:s23+$0x260]  }
.LBB2_3:
0x3c: {  	p0 =	sne.s32 s24, $0x18E00;
	v4 =	vadd.f32 v4, v18;
	v11 =	vadd.f32 v11, v16;
	v16 =	vld [tilespmem:s23+$0x270]  }
0x3d: {  	v5 =	vadd.f32 v5, v17;
	v10 =	vadd.f32 v10, v15;
	v15 =	vld [tilespmem:s23+$0xCA60]  }
0x3e: {  	s25 =	sshra.s32 s24, $0x2;
	v17 =	vmax.f32 v4, $0.0e+00;
	v3 =	vadd.f32 v3, v11;
	v9 =	vadd.f32 v9, v14;
	v11 =	vld [tilespmem:s23+$0xCA70]  }
0x3f: {  	v4 =	vld [tilespmem:s25+$0xCA00];
	[tilespmem:s23+$0x200] =	vst v17;
	v14 =	vmax.f32 v5, $0.0e+00;
	v2 =	vadd.f32 v2, v10;
	v8 =	vadd.f32 v8, v13  }
0x40: {  	v5 =	vld [tilespmem:s25+$0xCA10];
	[tilespmem:s23+$0x210] =	vst v14;
	v10 =	vmax.f32 v3, $0.0e+00;
	v1 =	vadd.f32 v1, v9;
	v7 =	vadd.f32 v7, v12  }
0x41: {  	v3 =	vld [tilespmem:s25+$0xCA20];
	[tilespmem:s23+$0x220] =	vst v10;
	v9 =	vmax.f32 v2, $0.0e+00;
	v0 =	vadd.f32 v0, v8;
	v6 =	vadd.f32 v6, v16  }
0x42: {  	v2 =	vld [tilespmem:s25+$0xCA30];
	[tilespmem:s23+$0x230] =	vst v9;
	v8 =	vmax.f32 v1, $0.0e+00;
	v7 =	vadd.f32 v15, v7  }
0x43: {  	v1 =	vld [tilespmem:s25+$0xCA40];
	[tilespmem:s23+$0x240] =	vst v8;
	v8 =	vmax.f32 v0, $0.0e+00;
	v6 =	vadd.f32 v11, v6  }
0x44: {  	v0 =	vld [tilespmem:s25+$0xCA50];
	[tilespmem:s23+$0x250] =	vst v8;
	v7 =	vmax.f32 v7, $0.0e+00  }
0x45: {  	v12 =	vld [tilespmem:s25+$0x6600];
	[tilespmem:s23+$0x260] =	vst v7;
	v6 =	vmax.f32 v6, $0.0e+00  }
0x46: {  	v17 =	vld [tilespmem:s25+$0x6610];
	[tilespmem:s23+$0x270] =	vst v6;
	s23 =	smov.u32 s25  }
0x47: {  	v11 =	vld [tilespmem:s23+$0x6620]  }
0x48: {  	v10 =	vld [tilespmem:s23+$0x6630]  }
0x49: {  	v9 =	vld [tilespmem:s23+$0x6640]  }
0x4a: {  	v8 =	vld [tilespmem:s23+$0x6650]  }
0x4b: {  	v7 =	vld [tilespmem:s23+$0x6660]  }
0x4c: {  	v6 =	vld [tilespmem:s23+$0x6670]  }
0x4d: {  	v13 =	vld [tilespmem:s23+$0x200]  }
0x4e: {  	v19 =	vld [tilespmem:s23+$0x210]  }
.Ltmp0:
0x4f: {  	v16 =	vld [tilespmem:s23+$0x220];
	(pc) =	sbr.rel @p0 .LBB2_3-.Ltmp0, $4  }
0x50: {  	v15 =	vld [tilespmem:s23+$0x230]  }
0x51: {  	v14 =	vld [tilespmem:s23+$0x240]  }
0x52: {  	v18 =	vadd.f32 v12, v13;
	v13 =	vld [tilespmem:s23+$0x250]  }
0x53: {  	s24 =	sadd.s32 $0x200, s24;
	v17 =	vadd.f32 v17, v19;
	v12 =	vld [tilespmem:s23+$0x260]  }
0x54: {  	v4 =	vadd.f32 v4, v18;
	v11 =	vadd.f32 v11, v16;
	v53 =	vld [tilespmem:s23+$0x270]  }
0x55: {  	v54 =	vld [tilespmem:s23+$0xCA60];
	v5 =	vadd.f32 v5, v17;
	v10 =	vadd.f32 v10, v15  }
0x56: {  	v55 =	vld [tilespmem:s23+$0xCA70];
	v4 =	vmax.f32 v4, $0.0e+00;
	v3 =	vadd.f32 v3, v11;
	v9 =	vadd.f32 v9, v14  }
0x57: {  	[tilespmem:s23+$0x200] =	vst v4;
	v56 =	vmax.f32 v5, $0.0e+00;
	v2 =	vadd.f32 v2, v10;
	v57 =	vadd.f32 v8, v13  }
0x58: {  	[tilespmem:s23+$0x210] =	vst v56;
	v3 =	vmax.f32 v3, $0.0e+00;
	v1 =	vadd.f32 v1, v9;
	v58 =	vadd.f32 v7, v12  }
0x59: {  	[tilespmem:s23+$0x220] =	vst v3;
	v2 =	vmax.f32 v2, $0.0e+00;
	v0 =	vadd.f32 v0, v57;
	v59 =	vadd.f32 v6, v53  }
0x5a: {  	[tilespmem:s23+$0x230] =	vst v2;
	v1 =	vmax.f32 v1, $0.0e+00;
	v60 =	vadd.f32 v54, v58  }
0x5b: {  	[tilespmem:s23+$0x240] =	vst v1;
	v0 =	vmax.f32 v0, $0.0e+00;
	v61 =	vadd.f32 v55, v59  }
0x5c: {  	s21 =	sadd.s32 $0x1, s21;
	[tilespmem:s23+$0x250] =	vst v0;
	v62 =	vmax.f32 v60, $0.0e+00  }
0x5d: {  	p0 =	sne.s32 s21, $0x32;
	[tilespmem:s23+$0x260] =	vst v62;
	v63 =	vmax.f32 v61, $0.0e+00  }
.Ltmp1:
0x5e: {  	s22 =	sadd.s32 s8, s22;
	[tilespmem:s23+$0x270] =	vst v63;
	(pc) =	sbr.rel @p0 .LBB2_2-.Ltmp1, $4  }
0x5f: {  	[hbm4b:s22+s1] =	stream.linear.scatter [tilespmem:s14], [sflag:$0x4], $0x6400, $0x38;
	[tilespmem:$0x12E00] =	vst v63  }
0x60: {  	_ =	swait.ge [sflag:s11], $0x6400  }
0x61: {  	[sflag:s11] =	ssyncset.done $0x0  }
0x62: {  	[sflag:s11] =	ssyncadd.s32 $0xFFFF9C00  }
0x63: {  	s20 =	sadd.s32 $0x1, s20  }
0x64: {  	p0 =	sne.s32 s20, s10  }
.Ltmp2:
0x65: {  	_ = 	snop;
	(pc) =	sbr.rel @p0 .LBB2_1-.Ltmp2, $1  }
0x66: {  	_ =	sdelay $0x3  }
0x67: {  	_ =	sfence.sel $0x180000  }
0x68: {  	[bflag:$0x0] =	sbarrier.arrive $0xFFFF  }
0x69: {  	p0 =	sne.s32 s5, $0x0;
	_ =	strace $0x9000004A  }
0x6a: {  	s0 =	sadd.s32 @!p0 $0x100000, s0;
	[bflag:$0x2] =	sbarrier.arrive $0xFFFF  }
0x6b: {  	[sflag:s0] =	ssyncadd.tile.s32 @!p0 $0x1;
	_ =	shalt  }
.Lfunc_end2:
_tile_overlayer_lowered:
.L_overlay_start_2:
0x6c: {  	(tag) =	ssettag $0x2  }
0x6d: {  	s0 =	rddreg [dreg:$0x0];
	s2 =	stileid.u32  }
0x6e: {  	s1 =	rddreg [dreg:$0x1];
	p0 =	sne.s32 s2, $0x0  }
0x6f: {  	s3 =	rddreg [dreg:$0x2];
	[bflag:$0x3] =	sbarrier.arrive $0xFFFF;
	s2 =	simm.s32 @!p0 $0x1C04  }
0x70: {  	[timem:s3], [sflag:s2] =	dma.local @!p0 [hbm:s0], s1  }
0x71: {  	s0 =	simm.s32 @!p0 $0x4  }
0x72: {  	_ =	swait.ge @!p0 [sflag:s0], s1  }
0x73: {  	s1 =	ssub.s32 @!p0 $0x0, s1;
	[sflag:s0] =	ssyncset.done @!p0 $0x0  }
0x74: {  	[sflag:s0] =	ssyncadd.s32 @!p0 s1  }
0x75: {  	[bflag:$0x3] =	sbarrier.arrive $0xFFFF  }
0x76: {  	_ =	shalt  }

// kernel: kernel.20.cloned.1.call-start
scs
__scs_entry_jumppad:
0x0: {  	(pc) =	sbr.rel $0x88, $3  }
0x1: {  	(tag) =	ssettag $0x0;
	lr =	simm.s32 $0x1  }
0x2: {  	[smem:$0x3F7B] =	sst lr;
	_ =	strace $0xD0000000  }
0x3: {  	_ = 	snop  }
0x4: {  	_ = 	snop  }
0x5: {  	_ = 	snop  }
0x6: {  	_ = 	snop  }
0x7: {  	_ = 	snop  }
__scs_overlays_trampoline_lowered:
0x8: {  	[smem:$0x3F8A] =	sst s0  }
0x9: {  	[smem:$0x3F8B] =	sst s1  }
0xa: {  	[smem:$0x3F8C] =	sst s2  }
0xb: {  	[smem:$0x3F8D] =	sst s3  }
0xc: {  	[smem:$0x3F8E] =	sst s4  }
0xd: {  	[smem:$0x3F8F] =	sst s5  }
0xe: {  	[smem:$0x3F90] =	sst s6  }
0xf: {  	[smem:$0x3F91] =	sst s7  }
0x10: {  	[smem:$0x3F92] =	sst s8  }
0x11: {  	[smem:$0x3F93] =	sst s9;
	s0 =	simm.s32 @!p0 $0x0  }
0x12: {  	s1 =	sld [smem:$0x3F79];
	s0 =	simm.s32 @p0 $0x1  }
0x13: {  	[smem:$0x3F94] =	sst s0;
	s0 =	simm.s32 @!p1 $0x0  }
0x14: {  	s2 =	sld [smem:$0x3F78];
	s0 =	simm.s32 @p1 $0x1  }
0x15: {  	[smem:$0x3F95] =	sst s0;
	s0 =	simm.s32 @!p2 $0x0  }
0x16: {  	s3 =	sld [smem:$0x3FDB];
	s0 =	simm.s32 @p2 $0x1  }
0x17: {  	s4 =	simm.s32 $0x1BF5;
	[smem:$0x3F97] =	sst s0  }
0x18: {  	s0 =	sld [smem:$0x3F7A];
	_ =	swait.ge [sflag:s4], $0x0  }
0x19: {  	s7 =	sld [smem:$0x3F7B]  }
0x1a: {  	s8 =	sadd.s32 $0xFFFFE003, lr  }
0x1b: {  	s9 =	sadd.s32 $0xFFFFFEF7, lr;
	s5 =	simm.s32 $0xFFFFFFFF;
	p2 =	slt.u32 s8, $0xFFFFF086  }
0x1c: {  	p1 =	slt.u32 s9, $0xF7A;
	s5 =	simm.s32 @!p2 $0x0  }
0x1d: {  	s5 =	simm.s32 @p1 $0x1;
	p0 =	seq.s32 s7, s2  }
0x1e: {  	s7 =	smul.u32 @!p0 $0xF7A, s2;
	p2 =	seq.s32 @!p0 s5, $0x0  }
0x1f: {  	s9 =	smul.u32 $0xF7A, s1;
	s8 =	simm.s32 @!p0 $0x1BF5;
	p2 =	por !p2, p0  }
0x20: {  	[sflag:s8] =	ssyncset.s32 @!p0 $0xFFFFF086;
	s6 =	sadd.s32 @!p0 s3, s7;
	s7 =	simm.s32 @!p0 $0x108  }
0x21: {  	s3 =	sadd.s32 s3, s9;
	s6 =	sadd.s32 @!p0 $0x88, s6;
	s7 =	simm.s32 @p2 $0x1082  }
0x22: {  	[simem:s7], [sflag:s8] =	dma.local @!p0 [hbm:s6], $0xF7A  }
0x23: {  	s9 =	sor.u32 $0xD0000000, s2;
	s6 =	simm.s32 $0x108;
	_ =	swait.ge @!p0 [sflag:s8], $0x0  }
0x24: {  	s3 =	sadd.s32 $0x88, s3;
	s6 =	simm.s32 @!p1 $0x1082;
	[sflag:s4] =	ssyncset.s32 $0xFFFFF086  }
0x25: {  	[simem:s6], [sflag:s4] =	dma.local [hbm:s3], $0xF7A  }
0x26: {  	[smem:$0x3F7B] =	sst s1;
	(tag) =	ssettag s2;
	_ =	strace s9  }
0x27: {  	s1 =	sld [smem:$0x3F8B]  }
0x28: {  	s2 =	sld [smem:$0x3F8C]  }
0x29: {  	s4 =	sld [smem:$0x3F8E]  }
0x2a: {  	p0 =	seq.s32 s5, $0x0;
	s5 =	sld [smem:$0x3F8F]  }
0x2b: {  	s6 =	sld [smem:$0x3F90]  }
0x2c: {  	s7 =	sld [smem:$0x3F91]  }
0x2d: {  	s3 =	simm.s32 $0x108;
	s8 =	sld [smem:$0x3F92]  }
0x2e: {  	s3 =	simm.s32 @!p0 $0x1082;
	s9 =	sld [smem:$0x3F93]  }
0x2f: {  	lr =	sadd.s32 s0, s3;
	s0 =	sld [smem:$0x3F8A]  }
0x30: {  	s3 =	sld [smem:$0x3F8D]  }
0x31: {  	[smem:$0x3F96] =	sst s10  }
0x32: {  	s10 =	sld [smem:$0x3F94];
	_ =	sdelay $0x3  }
0x33: {  	p0 =	seq.s32 s10, $0x1;
	s10 =	sld [smem:$0x3F96];
	_ =	sdelay $0x3  }
0x34: {  	[smem:$0x3F96] =	sst s10  }
0x35: {  	s10 =	sld [smem:$0x3F95];
	_ =	sdelay $0x3  }
0x36: {  	p1 =	seq.s32 s10, $0x1;
	s10 =	sld [smem:$0x3F96];
	_ =	sdelay $0x3  }
0x37: {  	[smem:$0x3F96] =	sst s10  }
0x38: {  	s10 =	sld [smem:$0x3F97]  }
0x39: {  	_ = 	snop;
	(pc) =	sbr.ind lr, $3  }
0x3a: {  	_ = 	snop  }
0x3b: {  	_ = 	snop  }
0x3c: {  	p2 =	seq.s32 s10, $0x1;
	s10 =	sld [smem:$0x3F96]  }
0x3d: {  	_ =	shalt  }
0x3e: {  	_ =	shalt  }
0x3f: {  	_ =	shalt  }
0x40: {  	_ =	shalt  }
0x41: {  	_ =	shalt  }
0x42: {  	_ =	shalt  }
0x43: {  	_ =	shalt  }
0x44: {  	_ =	shalt  }
0x45: {  	_ =	shalt  }
0x46: {  	_ =	shalt  }
0x47: {  	_ =	shalt  }
0x48: {  	_ =	shalt  }
0x49: {  	_ =	shalt  }
0x4a: {  	_ =	shalt  }
0x4b: {  	_ =	shalt  }
0x4c: {  	_ =	shalt  }
0x4d: {  	_ =	shalt  }
0x4e: {  	_ =	shalt  }
0x4f: {  	_ =	shalt  }
0x50: {  	_ =	shalt  }
0x51: {  	_ =	shalt  }
0x52: {  	_ =	shalt  }
0x53: {  	_ =	shalt  }
0x54: {  	_ =	shalt  }
0x55: {  	_ =	shalt  }
0x56: {  	_ =	shalt  }
0x57: {  	_ =	shalt  }
0x58: {  	_ =	shalt  }
0x59: {  	_ =	shalt  }
0x5a: {  	_ =	shalt  }
0x5b: {  	_ =	shalt  }
0x5c: {  	_ =	shalt  }
0x5d: {  	_ =	shalt  }
0x5e: {  	_ =	shalt  }
0x5f: {  	_ =	shalt  }
0x60: {  	_ =	shalt  }
0x61: {  	_ =	shalt  }
0x62: {  	_ =	shalt  }
0x63: {  	_ =	shalt  }
0x64: {  	_ =	shalt  }
0x65: {  	_ =	shalt  }
0x66: {  	_ =	shalt  }
0x67: {  	_ =	shalt  }
0x68: {  	_ =	shalt  }
0x69: {  	_ =	shalt  }
0x6a: {  	_ =	shalt  }
0x6b: {  	_ =	shalt  }
0x6c: {  	_ =	shalt  }
0x6d: {  	_ =	shalt  }
0x6e: {  	_ =	shalt  }
0x6f: {  	_ =	shalt  }
0x70: {  	_ =	shalt  }
0x71: {  	_ =	shalt  }
0x72: {  	_ =	shalt  }
0x73: {  	_ =	shalt  }
0x74: {  	_ =	shalt  }
0x75: {  	_ =	shalt  }
0x76: {  	_ =	shalt  }
0x77: {  	_ =	shalt  }
0x78: {  	_ =	shalt  }
0x79: {  	_ =	shalt  }
0x7a: {  	_ =	shalt  }
0x7b: {  	_ =	shalt  }
0x7c: {  	_ =	shalt  }
0x7d: {  	_ =	shalt  }
0x7e: {  	_ =	shalt  }
0x7f: {  	_ =	shalt  }
0x80: {  	_ =	shalt  }
0x81: {  	_ =	shalt  }
0x82: {  	_ =	shalt  }
0x83: {  	_ =	shalt  }
0x84: {  	_ =	shalt  }
0x85: {  	_ =	shalt  }
0x86: {  	_ =	shalt  }
0x87: {  	_ =	shalt  }
.Lfunc_end0:
.L_simem_size_0:
called_computation.2_lowered:
.L_overlay_start_0:
0x88: {  	s2 =	sld [smem:$0x3FD9]  }
0x89: {  	s3 =	sld [smem:$0x3FFE];
	_ =	sdelay $0x1  }
0x8a: {  	s1 =	srdreg.scid  }
0x8b: {  	s0 =	sand.u32 $0x1, s1  }
0x8c: {  	s16 =	sshll.u32 s0, $0xA;
	s2 =	sadd.s32 s3, s2  }
0x8d: {  	s2 =	sadd.s32 s2, s16  }
0x8e: {  	[smem:$0x3FA2] =	sst s2  }
0x8f: {  	_ = 	snop  }
0x90: {  	(tm) =	ssettm $0x1  }
0x91: {  	s17 =	sld [smem:$0x3FFB];
	_ =	sdelay $0x3  }
0x92: {  	_ =	strace s17  }
0x93: {  	s2 =	sld [smem:$0x3FFC];
	_ =	sdelay $0x3  }
0x94: {  	_ =	strace s2  }
0x95: {  	s2 =	sld [smem:$0x3FFD];
	_ =	sdelay $0x3  }
0x96: {  	_ =	strace s2  }
0x97: {  	_ =	strace $0x8FFFFFFF  }
0x98: {  	s18 =	sld [smem:$0x3FDB];
	_ =	sdelay $0x1  }
0x99: {  	s19 =	simm.s32 $_scs_section_size  }
0x9a: {  	s4 =	simm.s32 $_size__tile_overlayer_lowered;
	s5 =	simm.s32 $_tile_overlayer_lowered  }
0x9b: {  	s22 =	simm.s32 $0x1BFF;
	s21 =	sshll.u32 s5, $0x1;
	s2 =	sadd.s32 s19, s18  }
0x9c: {  	s6 =	simm.s32 $0x0;
	s20 =	sshll.u32 s4, $0x1;
	s4 =	sadd.s32 s21, s2  }
0x9d: {  	[timem:s6], [sflag:s22] =	dma.local [hbm:s4], s20  }
0x9e: {  	_ =	swait.ge [sflag:s22], s20  }
0x9f: {  	s3 =	ssub.s32 $0x0, s20;
	[sflag:s22] =	ssyncset.done $0x0  }
0xa0: {  	[sflag:s22] =	ssyncadd.s32 s3;
	_ =	sdelay $0x1  }
0xa1: {  	s23 =	simm.s32 $0x1B8B  }
0xa2: {  	_ =	swait.ge [sflag:s23], $0x1  }
0xa3: {  	[sflag:s23] =	ssyncset.done $0x0  }
0xa4: {  	s25 =	simm.s32 $0x1B8E;
	s24 =	sld [smem:$0x3FFE];
	[sflag:s23] =	ssyncadd.s32 $0xFFFFFFFF  }
0xa5: {  	s26 =	simm.s32 $execute0_lowered;
	[smem:$0x3FD2] =	sst s25  }
0xa6: {  	s4 =	sshll.u32 s26, $0x1;
	_ =	strace $0x8000004C;
	[dreg:$0x1] =	wrdreg $0xFFFFFFFF  }
0xa7: {  	s28 =	simm.s32 $_size_execute0_lowered;
	s2 =	sadd.s32 s2, s4;
	[dreg:$0x0] =	wrdreg $0x0  }
0xa8: {  	s4 =	sshll.u32 s28, $0x1;
	[dreg:$0x2] =	wrdreg s2  }
0xa9: {  	[dreg:$0x3] =	wrdreg s4  }
0xaa: {  	[dreg:$0x4] =	wrdreg $0xC0  }
0xab: {  	_ =	task [dreg:s6], $0x5FFFF  }
0xac: {  	[dreg:$0x1] =	wrdreg $0xFFFFFFFF  }
0xad: {  	[dreg:$0x0] =	wrdreg $0x60  }
0xae: {  	[dreg:$0x2] =	wrdreg s24  }
0xaf: {  	[dreg:$0x3] =	wrdreg $0x9  }
0xb0: {  	_ =	task.clear_ibuf [dreg:s6], $0x4FFFF;
	_ =	strace $0x9000004C  }
0xb1: {  	s29 =	simm.s32 $0x9;
	_ =	strace $0x8000004E  }
0xb2: {  	_ =	swait.ge [sflag:s29], $0x1  }
0xb3: {  	[sflag:s29] =	ssyncadd.s32 $0xFFFFFFFF  }
0xb4: {  	_ =	strace $0x9000004E  }
0xb5: {  	_ =	sfence  }
0xb6: {  	s30 =	sld [smem:$0x0];
	_ =	sdelay $0x2  }
0xb7: {  	s31 =	sshll.u32 s1, $0xD;
	s1 =	sshrl.u32 s1, $0x2  }
0xb8: {  	s3 =	sand.u32 $0x4000, s31;
	s1 =	sadd.s32 s1, s30  }
0xb9: {  	s0 =	sor.u32 s3, s0;
	s1 =	sshll.u32 s1, $0x11  }
0xba: {  	s0 =	sor.u32 s1, s0  }
0xbb: {  	s0 =	sadd.s32 $0x8F2B, s0  }
0xbc: {  	[sflag:s0] =	ssyncadd.remote.s32 $0x1  }
0xbd: {  	_ =	sfence.sel $0xFFFF  }
0xbe: {  	[dreg:$0x0] =	wrdreg $0xFFFFFFFF;
	(pc) =	sbr.abs _section_cstart, $3  }
0xbf: {  	[dreg:$0x1] =	wrdreg $0xFFFFFFFF  }
0xc0: {  	_ =	task.clear_ibuf [dreg:s6], $0x2FFFF;
	_ =	strace $0x9FFFFFFF  }
0xc1: {  	(tm) =	ssettm $0x7FFFFFFF  }
tec
execute0_lowered:
.L_overlay_start_1:
0x0: {  	(tag) =	ssettag $0x1  }
0x1: {  	s8 =	rddreg [dreg:$0x0]  }
0x2: {  	s0 =	rddreg [dreg:$0x1];
	s1 =	simm.s32 $0x0;
	s5 =	srdreg.scid  }
0x3: {  	s12 =	simm.s32 $0x100;
	s13 =	simm.s32 $0xC8;
	s14 =	simm.s32 $0x200  }
0x4: {  	s15 =	simm.s32 $0x6600;
	s16 =	simm.s32 $0xCA00;
	s17 =	simm.s32 $0x1  }
0x5: {  	s18 =	simm.s32 $0x2;
	s19 =	simm.s32 $0x3;
	s20 =	simm.s32 $0x0  }
0x6: {  	[smem:$0x7FF] =	sst s1;
	s2 =	sadd.s32 $0x58600, s8;
	s3 =	sadd.s32 $0x31400, s8  }
0x7: {  	s4 =	sadd.s32 $0xECFC00, s8;
	s9 =	sand.u32 $0x1, s5;
	s6 =	sadd.s32 $0x4F6000, s8  }
0x8: {  	s7 =	sadd.s32 $0x4EC200, s8;
	s5 =	stileid.u32;
	s10 =	ssub.s32 $0x2, s9  }
0x9: {  	s8 =	sadd.s32 $0x509C00, s8;
	s9 =	sshll.u32 s9, $0x4;
	s11 =	sshrl.u32 s10, $0x1  }
0xa: {  	_ =	strace $0x8000004D;
	s9 =	sor.u32 s5, s9;
	s10 =	ssub.s32 s10, s11  }
0xb: {  	s9 =	smul.u32 $0x2710, s9;
	s11 =	simm.s32 $0x4;
	s10 =	smax.u32 s10, $0x1  }
.LBB2_1:
0xc: {  	s21 =	simm.s32 $0x0  }
.LBB2_2:
0xd: {  	s22 =	smul.u32 $0xC8, s21;
	_ =	sdelay $0x1  }
0xe: {  	s22 =	sadd.s32 s9, s22  }
0xf: {  	s23 =	sshrl.u32 s22, $0x3  }
0x10: {  	s25 =	simm.s32 $0x0;
	s24 =	sadd.s32 s6, s23  }
0x11: {  	[tilespmem:s25], [sflag:$0x4] =	stream.linear.gather [hbm4b:s24+s25], $0xC8, $0x38;
	[tilespmem:$0x12E00] =	vst v63  }
0x12: {  	_ =	swait.ge [sflag:s11], $0xC8  }
0x13: {  	[sflag:s11] =	ssyncset.done $0x0  }
0x14: {  	s23 =	sadd.s32 s7, s23;
	[sflag:s11] =	ssyncadd.s32 $0xFFFFFF38  }
0x15: {  	[tilespmem:s12], [sflag:$0x4] =	stream.linear.gather [hbm4b:s23+s25], $0xC8, $0x38;
	[tilespmem:$0x12E00] =	vst v63  }
0x16: {  	_ =	swait.ge [sflag:s11], $0xC8  }
0x17: {  	[sflag:s11] =	ssyncset.done $0x0  }
0x18: {  	[sflag:s11] =	ssyncadd.s32 $0xFFFFFF38  }
0x19: {  	[tilespmem:s14], [sflag:$0x1] =	stream.indirect.gather [hbm4b:s2+s13], $0x80, s25, s13, $0xb8;
	[tilespmem:$0x12E00] =	vst v63  }
0x1a: {  	s22 =	sshll.u32 s22, $0x4  }
0x1b: {  	[tilespmem:s15], [sflag:$0x2] =	stream.indirect.gather [hbm4b:s3+s13], $0x80, s12, s13, $0xb8;
	[tilespmem:$0x12E00] =	vst v63  }
0x1c: {  	s31 =	sadd.s32 s4, s22  }
0x1d: {  	[tilespmem:s16], [sflag:$0x3] =	stream.linear.gather [hbm4b:s31+s25], $0x6400, $0x38;
	[tilespmem:$0x12E00] =	vst v63  }
0x1e: {  	_ =	swait.ge [sflag:s17], $0x6400  }
0x1f: {  	[sflag:s17] =	ssyncset.done $0x0  }
0x20: {  	[sflag:s17] =	ssyncadd.s32 $0xFFFF9C00  }
0x21: {  	_ =	swait.ge [sflag:s18], $0x6400  }
0x22: {  	[sflag:s18] =	ssyncset.done $0x0  }
0x23: {  	[sflag:s18] =	ssyncadd.s32 $0xFFFF9C00  }
0x24: {  	_ =	swait.ge [sflag:s19], $0x6400  }
0x25: {  	[sflag:s19] =	ssyncset.done $0x0  }
0x26: {  	s23 =	simm.s32 $0x0;
	[sflag:s19] =	ssyncadd.s32 $0xFFFF9C00  }
0x27: {  	v4 =	vld [tilespmem:s23+$0xCA00]  }
0x28: {  	v5 =	vld [tilespmem:s23+$0xCA10]  }
0x29: {  	v3 =	vld [tilespmem:s23+$0xCA20]  }
0x2a: {  	v2 =	vld [tilespmem:s23+$0xCA30]  }
0x2b: {  	v1 =	vld [tilespmem:s23+$0xCA40]  }
0x2c: {  	v0 =	vld [tilespmem:s23+$0xCA50]  }
0x2d: {  	v12 =	vld [tilespmem:s23+$0x6600]  }
0x2e: {  	v17 =	vld [tilespmem:s23+$0x6610]  }
0x2f: {  	v11 =	vld [tilespmem:s23+$0x6620]  }
0x30: {  	v10 =	vld [tilespmem:s23+$0x6630]  }
0x31: {  	v9 =	vld [tilespmem:s23+$0x6640]  }
0x32: {  	v8 =	vld [tilespmem:s23+$0x6650]  }
0x33: {  	v7 =	vld [tilespmem:s23+$0x6660]  }
0x34: {  	v6 =	vld [tilespmem:s23+$0x6670]  }
0x35: {  	v18 =	vld [tilespmem:s23+$0x200]  }
0x36: {  	v19 =	vld [tilespmem:s23+$0x210]  }
0x37: {  	v16 =	vld [tilespmem:s23+$0x220]  }
0x38: {  	v15 =	vld [tilespmem:s23+$0x230]  }
0x39: {  	v14 =	vld [tilespmem:s23+$0x240]  }
0x3a: {  	v13 =	vld [tilespmem:s23+$0x250];
	v18 =	vadd.f32 v12, v18  }
0x3b: {  	s24 =	simm.s32 $0x200;
	v17 =	vadd.f32 v17, v19;
	v12 =	vld [tilespmem:s23+$0x260]  }
.LBB2_3:
0x3c: {  	p0 =	sne.s32 s24, $0x18E00;
	v4 =	vadd.f32 v4, v18;
	v11 =	vadd.f32 v11, v16;
	v16 =	vld [tilespmem:s23+$0x270]  }
0x3d: {  	v5 =	vadd.f32 v5, v17;
	v10 =	vadd.f32 v10, v15;
	v15 =	vld [tilespmem:s23+$0xCA60]  }
0x3e: {  	s25 =	sshra.s32 s24, $0x2;
	v17 =	vmax.f32 v4, $0.0e+00;
	v3 =	vadd.f32 v3, v11;
	v9 =	vadd.f32 v9, v14;
	v11 =	vld [tilespmem:s23+$0xCA70]  }
0x3f: {  	v4 =	vld [tilespmem:s25+$0xCA00];
	[tilespmem:s23+$0x200] =	vst v17;
	v14 =	vmax.f32 v5, $0.0e+00;
	v2 =	vadd.f32 v2, v10;
	v8 =	vadd.f32 v8, v13  }
0x40: {  	v5 =	vld [tilespmem:s25+$0xCA10];
	[tilespmem:s23+$0x210] =	vst v14;
	v10 =	vmax.f32 v3, $0.0e+00;
	v1 =	vadd.f32 v1, v9;
	v7 =	vadd.f32 v7, v12  }
0x41: {  	v3 =	vld [tilespmem:s25+$0xCA20];
	[tilespmem:s23+$0x220] =	vst v10;
	v9 =	vmax.f32 v2, $0.0e+00;
	v0 =	vadd.f32 v0, v8;
	v6 =	vadd.f32 v6, v16  }
0x42: {  	v2 =	vld [tilespmem:s25+$0xCA30];
	[tilespmem:s23+$0x230] =	vst v9;
	v8 =	vmax.f32 v1, $0.0e+00;
	v7 =	vadd.f32 v15, v7  }
0x43: {  	v1 =	vld [tilespmem:s25+$0xCA40];
	[tilespmem:s23+$0x240] =	vst v8;
	v8 =	vmax.f32 v0, $0.0e+00;
	v6 =	vadd.f32 v11, v6  }
0x44: {  	v0 =	vld [tilespmem:s25+$0xCA50];
	[tilespmem:s23+$0x250] =	vst v8;
	v7 =	vmax.f32 v7, $0.0e+00  }
0x45: {  	v12 =	vld [tilespmem:s25+$0x6600];
	[tilespmem:s23+$0x260] =	vst v7;
	v6 =	vmax.f32 v6, $0.0e+00  }
0x46: {  	v17 =	vld [tilespmem:s25+$0x6610];
	[tilespmem:s23+$0x270] =	vst v6;
	s23 =	smov.u32 s25  }
0x47: {  	v11 =	vld [tilespmem:s23+$0x6620]  }
0x48: {  	v10 =	vld [tilespmem:s23+$0x6630]  }
0x49: {  	v9 =	vld [tilespmem:s23+$0x6640]  }
0x4a: {  	v8 =	vld [tilespmem:s23+$0x6650]  }
0x4b: {  	v7 =	vld [tilespmem:s23+$0x6660]  }
0x4c: {  	v6 =	vld [tilespmem:s23+$0x6670]  }
0x4d: {  	v13 =	vld [tilespmem:s23+$0x200]  }
0x4e: {  	v19 =	vld [tilespmem:s23+$0x210]  }
.Ltmp0:
0x4f: {  	v16 =	vld [tilespmem:s23+$0x220];
	(pc) =	sbr.rel @p0 .LBB2_3-.Ltmp0, $4  }
0x50: {  	v15 =	vld [tilespmem:s23+$0x230]  }
0x51: {  	v14 =	vld [tilespmem:s23+$0x240]  }
0x52: {  	v18 =	vadd.f32 v12, v13;
	v13 =	vld [tilespmem:s23+$0x250]  }
0x53: {  	s24 =	sadd.s32 $0x200, s24;
	v17 =	vadd.f32 v17, v19;
	v12 =	vld [tilespmem:s23+$0x260]  }
0x54: {  	v4 =	vadd.f32 v4, v18;
	v11 =	vadd.f32 v11, v16;
	v53 =	vld [tilespmem:s23+$0x270]  }
0x55: {  	v54 =	vld [tilespmem:s23+$0xCA60];
	v5 =	vadd.f32 v5, v17;
	v10 =	vadd.f32 v10, v15  }
0x56: {  	v55 =	vld [tilespmem:s23+$0xCA70];
	v4 =	vmax.f32 v4, $0.0e+00;
	v3 =	vadd.f32 v3, v11;
	v9 =	vadd.f32 v9, v14  }
0x57: {  	[tilespmem:s23+$0x200] =	vst v4;
	v56 =	vmax.f32 v5, $0.0e+00;
	v2 =	vadd.f32 v2, v10;
	v57 =	vadd.f32 v8, v13  }
0x58: {  	[tilespmem:s23+$0x210] =	vst v56;
	v3 =	vmax.f32 v3, $0.0e+00;
	v1 =	vadd.f32 v1, v9;
	v58 =	vadd.f32 v7, v12  }
0x59: {  	[tilespmem:s23+$0x220] =	vst v3;
	v2 =	vmax.f32 v2, $0.0e+00;
	v0 =	vadd.f32 v0, v57;
	v59 =	vadd.f32 v6, v53  }
0x5a: {  	[tilespmem:s23+$0x230] =	vst v2;
	v1 =	vmax.f32 v1, $0.0e+00;
	v60 =	vadd.f32 v54, v58  }
0x5b: {  	[tilespmem:s23+$0x240] =	vst v1;
	v0 =	vmax.f32 v0, $0.0e+00;
	v61 =	vadd.f32 v55, v59  }
0x5c: {  	s21 =	sadd.s32 $0x1, s21;
	[tilespmem:s23+$0x250] =	vst v0;
	v62 =	vmax.f32 v60, $0.0e+00  }
0x5d: {  	p0 =	sne.s32 s21, $0x32;
	[tilespmem:s23+$0x260] =	vst v62;
	v63 =	vmax.f32 v61, $0.0e+00  }
.Ltmp1:
0x5e: {  	s22 =	sadd.s32 s8, s22;
	[tilespmem:s23+$0x270] =	vst v63;
	(pc) =	sbr.rel @p0 .LBB2_2-.Ltmp1, $4  }
0x5f: {  	[hbm4b:s22+s1] =	stream.linear.scatter [tilespmem:s14], [sflag:$0x4], $0x6400, $0x38;
	[tilespmem:$0x12E00] =	vst v63  }
0x60: {  	_ =	swait.ge [sflag:s11], $0x6400  }
0x61: {  	[sflag:s11] =	ssyncset.done $0x0  }
0x62: {  	[sflag:s11] =	ssyncadd.s32 $0xFFFF9C00  }
0x63: {  	s20 =	sadd.s32 $0x1, s20  }
0x64: {  	p0 =	sne.s32 s20, s10  }
.Ltmp2:
0x65: {  	_ = 	snop;
	(pc) =	sbr.rel @p0 .LBB2_1-.Ltmp2, $1  }
0x66: {  	_ =	sdelay $0x3  }
0x67: {  	_ =	sfence.sel $0x180000  }
0x68: {  	[bflag:$0x0] =	sbarrier.arrive $0xFFFF  }
0x69: {  	p0 =	sne.s32 s5, $0x0;
	_ =	strace $0x9000004D  }
0x6a: {  	s0 =	sadd.s32 @!p0 $0x100000, s0;
	[bflag:$0x2] =	sbarrier.arrive $0xFFFF  }
0x6b: {  	[sflag:s0] =	ssyncadd.tile.s32 @!p0 $0x1;
	_ =	shalt  }
.Lfunc_end2:
_tile_overlayer_lowered:
.L_overlay_start_2:
0x6c: {  	(tag) =	ssettag $0x2  }
0x6d: {  	s0 =	rddreg [dreg:$0x0];
	s2 =	stileid.u32  }
0x6e: {  	s1 =	rddreg [dreg:$0x1];
	p0 =	sne.s32 s2, $0x0  }
0x6f: {  	s3 =	rddreg [dreg:$0x2];
	[bflag:$0x3] =	sbarrier.arrive $0xFFFF;
	s2 =	simm.s32 @!p0 $0x1C04  }
0x70: {  	[timem:s3], [sflag:s2] =	dma.local @!p0 [hbm:s0], s1  }
0x71: {  	s0 =	simm.s32 @!p0 $0x4  }
0x72: {  	_ =	swait.ge @!p0 [sflag:s0], s1  }
0x73: {  	s1 =	ssub.s32 @!p0 $0x0, s1;
	[sflag:s0] =	ssyncset.done @!p0 $0x0  }
0x74: {  	[sflag:s0] =	ssyncadd.s32 @!p0 s1  }
0x75: {  	[bflag:$0x3] =	sbarrier.arrive $0xFFFF  }
0x76: {  	_ =	shalt  }

</sc_bundles>
